<compile_context>
chip_gen: v7x
topology: tpu7x:2x2x1
jax: 0.10.2.dev20260603
libtpu: 0.0.44.dev20260713+nightly
codegen_flags: <defaults>
</compile_context>

<pallas_src>
import functools

import jax
import jax.numpy as jnp
from jax import lax
from jax.experimental import pallas as pl
from jax.experimental.pallas import tpu as pltpu
from jax.experimental.pallas import tpu_sc as plsc

N_NODES = 10000
N_EDGES = 160000
FEAT = 256
FPAD = 272
NSC = 2
NSUB = 16
NHALF = N_NODES // NSC
EPT = 10240
EPAD = NSUB * EPT
CHUNK = 16
NBUF = 5
IDXB = EPT + NBUF * CHUNK + 16
ZROWS = 316
AGG_ROWS = NSUB * ZROWS
DUMMY_SRC = N_NODES
DUMMY_DST = NHALF


def _sc_aggregate(xfull, e_p, zrows):
  mesh = plsc.VectorSubcoreMesh(
      core_axis_name="c", subcore_axis_name="s",
      num_cores=NSC, num_subcores=NSUB)

  @functools.partial(
      pl.kernel,
      out_type=jax.ShapeDtypeStruct((NSC, AGG_ROWS, FPAD), jnp.float32),
      mesh=mesh,
      compiler_params=pltpu.CompilerParams(
          use_tc_tiling_on_sc=False, needs_layout_passes=False),
      scratch_types=[
          pltpu.VMEM_SHARED((AGG_ROWS, FPAD), jnp.float32),
          pltpu.VMEM((IDXB,), jnp.int32),
          pltpu.VMEM((IDXB,), jnp.int32),
          [pltpu.VMEM((CHUNK, FPAD), jnp.float32)] * NBUF,
          [pltpu.SemaphoreType.DMA] * NBUF,
      ],
  )
  def agg_kernel(xfull_hbm, e_hbm, z_hbm, out_hbm,
                 acc, srcb, dstb, rows, sems):
    c = lax.axis_index("c")
    s = lax.axis_index("s")
    lo = c * NHALF

    pltpu.sync_copy(z_hbm, acc.at[pl.ds(s * ZROWS, ZROWS)])

    pltpu.sync_copy(e_hbm.at[0, s], srcb.at[pl.ds(0, EPT)])
    pltpu.sync_copy(e_hbm.at[1, s], dstb.at[pl.ds(0, EPT)])

    @pl.loop(0, EPT // 16, init_carry=jnp.int32(0))
    def _filter(i, off):
      sl = pl.ds(i * 16, 16)
      d = dstb[sl]
      sv = srcb[sl]
      msk = (d >= lo) & (d < lo + NHALF)
      plsc.store_compressed(dstb.at[pl.ds(off, 16)], d - lo, mask=msk)
      plsc.store_compressed(srcb.at[pl.ds(off, 16)], sv, mask=msk)
      cnt = plsc.all_reduce_population_count(msk)
      return off + cnt[0]

    m = _filter
    base = pl.multiple_of((m // 16) * 16, 16)
    lanes = lax.iota(jnp.int32, 16)
    keep = lanes < (m - base)
    bsl = pl.ds(base, 16)
    srcb[bsl] = jnp.where(keep, srcb[bsl], DUMMY_SRC)
    dstb[bsl] = jnp.where(keep, dstb[bsl], DUMMY_DST)
    for k in range(1, NBUF * CHUNK // 16 + 1):
      sl = pl.ds(base + k * 16, 16)
      srcb[sl] = jnp.full((16,), DUMMY_SRC, jnp.int32)
      dstb[sl] = jnp.full((16,), DUMMY_DST, jnp.int32)
    grp = NBUF * CHUNK
    nch = jnp.maximum(NBUF * ((m + grp - 1) // grp), NBUF)

    plsc.subcore_barrier()

    def _gather(t, k):
      sl = srcb.at[pl.ds(t * CHUNK, CHUNK)]
      pltpu.async_copy(xfull_hbm.at[sl], rows[k], sems[k])

    for k in range(NBUF - 1):
      _gather(k, k)

    @pl.loop(0, nch, step=NBUF)
    def _(j):
      for k in range(NBUF):
        t = j + k
        sl = srcb.at[pl.ds(t * CHUNK, CHUNK)]
        pltpu.make_async_copy(xfull_hbm.at[sl], rows[k], sems[k]).wait()

        @pl.when(t + NBUF - 1 < nch)
        def _():
          _gather(t + NBUF - 1, (k + NBUF - 1) % NBUF)

        dv = dstb[pl.ds(t * CHUNK, 16)]
        pltpu.sync_copy(rows[k], acc.at[dv], add=True)

    plsc.subcore_barrier()
    pltpu.sync_copy(acc.at[pl.ds(s * ZROWS, ZROWS)],
                    out_hbm.at[c, pl.ds(s * ZROWS, ZROWS)])

  return agg_kernel(xfull, e_p, zrows)


def _tc_body(x_ref, agg_ref, w_ref, lw_ref, b_ref, out_ref):
  a = agg_ref[0]
  deg = jnp.maximum(a[:, FEAT:FEAT + 1], 1.0)
  inv = 1.0 / deg
  acc = jnp.dot(a[:, :FEAT] * inv, w_ref[...],
                preferred_element_type=jnp.float32)
  acc = acc + jnp.dot(x_ref[...], lw_ref[...], preferred_element_type=jnp.float32)
  out_ref[...] = acc + b_ref[...]


def _tc_combine(x, agg, w2p, lw, b2):
  nblk = 10
  blk = N_NODES // nblk
  bph = NHALF // blk
  return pl.pallas_call(
      _tc_body,
      grid=(nblk,),
      in_specs=[
          pl.BlockSpec((blk, FEAT), lambda i: (i, 0)),
          pl.BlockSpec((1, blk, FPAD), lambda i: (i // bph, i % bph, 0)),
          pl.BlockSpec((FEAT, FEAT), lambda i: (0, 0)),
          pl.BlockSpec((FEAT, FEAT), lambda i: (0, 0)),
          pl.BlockSpec((1, FEAT), lambda i: (0, 0)),
      ],
      out_specs=pl.BlockSpec((blk, FEAT), lambda i: (i, 0)),
      out_shape=jax.ShapeDtypeStruct((N_NODES, FEAT), jnp.float32),
  )(x, agg, w2p, lw, b2)


def kernel(x, edge_index, W, b, loop_weight):
  ei = edge_index.astype(jnp.int32)
  pad = EPAD - N_EDGES
  e_p = jnp.concatenate(
      [ei, jnp.full((2, pad), N_NODES, jnp.int32)], axis=1)
  e_p = e_p.reshape(2, NSUB, EPT)

  ones = jnp.ones((N_NODES, 1), jnp.float32)
  zcols = jnp.zeros((N_NODES, FPAD - FEAT - 1), jnp.float32)
  xfull = jnp.concatenate([x, ones, zcols], axis=1)
  xfull = jnp.concatenate([xfull, jnp.zeros((8, FPAD), jnp.float32)], axis=0)
  zrows = jnp.zeros((ZROWS, FPAD), jnp.float32)

  agg = _sc_aggregate(xfull, e_p, zrows)

  return _tc_combine(x, agg, W, loop_weight, b.reshape(1, FEAT))

# --- scband reference (transcript-rebuilt; emitter-appended) ---
"""Pipeline reference for scband-graph-conv-layer-17592186044979 (READ-ONLY COPY).

The authoritative reference and input builder live on the scoring server;
editing this copy changes nothing except your own understanding.
"""

import jax, jax.numpy as jnp
import numpy as np

N_NODES = 10000
N_EDGES = 160000
IN_FEAT = 256
OUT_FEAT = 256


def setup_inputs(seed: int = 0) -> dict:
    key = jax.random.key(seed)
    k1, k2, k3, k4, k5 = jax.random.split(key, 5)
    x = jax.random.normal(k1, (N_NODES, IN_FEAT), dtype=jnp.float32)
    edge_index = jax.random.randint(k2, (2, N_EDGES), 0, N_NODES, dtype=jnp.int64)
    # GraphConv weight + bias (single edge type in the hetero dict)
    W = jax.random.normal(k3, (IN_FEAT, OUT_FEAT), dtype=jnp.float32) * (1.0 / np.sqrt(IN_FEAT))
    b = jnp.zeros((OUT_FEAT,), dtype=jnp.float32)
    # self-loop weight (xavier-uniform)
    limit = np.sqrt(6.0 / (IN_FEAT + OUT_FEAT)) * np.sqrt(2.0)
    loop_weight = jax.random.uniform(k4, (IN_FEAT, OUT_FEAT), dtype=jnp.float32, minval=-limit, maxval=limit)
    return {"x": x, "edge_index": edge_index, "W": W, "b": b, "loop_weight": loop_weight}


def reference(x, edge_index, W, b, loop_weight):
    # dgl GraphConv(norm='right'): h = x @ W; aggregate sum over incoming edges;
    # divide by in-degree of destination node; add bias.
    src = edge_index[0]
    dst = edge_index[1]
    h = x @ W                                      # [N, out_feat]
    msg = jnp.take(h, src, axis=0)                 # gather  [E, out_feat]
    agg = jax.ops.segment_sum(msg, dst, num_segments=N_NODES)  # scatter-add
    deg = jax.ops.segment_sum(jnp.ones((N_EDGES,), dtype=jnp.float32), dst, num_segments=N_NODES)
    deg = jnp.clip(deg, 1.0, None)
    out = agg / deg[:, None] + b
    # self-loop branch (HeteroGraphConv 'sum' aggregate then + x @ loop_weight)
    out = out + x @ loop_weight
    # activation=None, dropout=0.0 -> identity
    return out

if __name__ == "__main__":
    import jax
    _d = setup_inputs()
    print(jax.jit(kernel)(*tuple(_d.values())))

</pallas_src>

<mosaic_0001>
#map = affine_map<(d0, d1) -> (0, 0)>
#map1 = affine_map<(d0, d1) -> (0, 0, 0)>
module attributes {stable_mosaic.version = 14 : i64} {
  func.func @agg_kernel(%arg0: i32, %arg1: i32, %arg2: memref<10008x272xf32, #tpu.memory_space<hbm>>, %arg3: memref<2x16x10240xi32, #tpu.memory_space<hbm>>, %arg4: memref<316x272xf32, #tpu.memory_space<hbm>>, %arg5: memref<2x5056x272xf32, #tpu.memory_space<hbm>>, %arg6: memref<5056x272xf32, #tpu.memory_space<vmem_shared>>, %arg7: memref<10336xi32, #tpu.memory_space<vmem>>, %arg8: memref<10336xi32, #tpu.memory_space<vmem>>, %arg9: memref<16x272xf32, #tpu.memory_space<vmem>>, %arg10: memref<16x272xf32, #tpu.memory_space<vmem>>, %arg11: memref<16x272xf32, #tpu.memory_space<vmem>>, %arg12: memref<16x272xf32, #tpu.memory_space<vmem>>, %arg13: memref<16x272xf32, #tpu.memory_space<vmem>>, %arg14: memref<!tpu.dma_semaphore, #tpu.memory_space<semaphore_mem>>, %arg15: memref<!tpu.dma_semaphore, #tpu.memory_space<semaphore_mem>>, %arg16: memref<!tpu.dma_semaphore, #tpu.memory_space<semaphore_mem>>, %arg17: memref<!tpu.dma_semaphore, #tpu.memory_space<semaphore_mem>>, %arg18: memref<!tpu.dma_semaphore, #tpu.memory_space<semaphore_mem>>) attributes {dimension_semantics = [#tpu.dimension_semantics<core_parallel>, #tpu.dimension_semantics<subcore_parallel>], iteration_bounds = array<i64: 2, 16>, scalar_prefetch = 0 : i64, scratch_operands = 13 : i64, tpu.core_type = #tpu.core_type<sc_vector_subcore>, window_params = [{transform_indices = #map}, {transform_indices = #map1}, {transform_indices = #map}, {transform_indices = #map1}]} {
    %mul3A = arith.constant 5000 : i32
    %mul3A_0 = arith.muli %arg0, %mul3A : i32
    %mul3A_1 = arith.constant 316 : i32
    %mul3A_2 = arith.muli %arg1, %mul3A_1 : i32
    "tpu.region"() ({
      %run_scoped3A_163 = tpu.sem_alloc : memref<!tpu.dma_semaphore, #tpu.memory_space<semaphore_mem>>
      %dma_start3A_164 = arith.constant 0 : i32
      %dma_start3A_165 = tpu.memref_slice %arg6[%mul3A_2, %dma_start3A_164] : memref<5056x272xf32, #tpu.memory_space<vmem_shared>> -> memref<316x272xf32, #tpu.memory_space<vmem_shared>>
      tpu.enqueue_dma source(%arg4 : memref<316x272xf32, #tpu.memory_space<hbm>>) target(%dma_start3A_165 : memref<316x272xf32, #tpu.memory_space<vmem_shared>>) target_semaphore(%run_scoped3A_163 : memref<!tpu.dma_semaphore, #tpu.memory_space<semaphore_mem>>)
      %dma_wait3A = arith.constant 0 : i32
      %dma_wait3A_166 = tpu.memref_slice %arg6[%mul3A_2, %dma_wait3A] : memref<5056x272xf32, #tpu.memory_space<vmem_shared>> -> memref<316x272xf32, #tpu.memory_space<vmem_shared>>
      tpu.wait_dma2 semaphore(%run_scoped3A_163 : memref<!tpu.dma_semaphore, #tpu.memory_space<semaphore_mem>>) src(%arg4 : memref<316x272xf32, #tpu.memory_space<hbm>>) dst(%dma_wait3A_166 : memref<316x272xf32, #tpu.memory_space<vmem_shared>>)
      tpu.yield
    }) : () -> ()
    %run_scoped3A = arith.constant 0 : i32
    "tpu.region"() ({
      %run_scoped3A_163 = tpu.sem_alloc : memref<!tpu.dma_semaphore, #tpu.memory_space<semaphore_mem>>
      %dma_start3A_164 = arith.constant 0 : i32
      %dma_start3A_165 = tpu.memref_slice %arg7[%dma_start3A_164] : memref<10336xi32, #tpu.memory_space<vmem>> -> memref<10240xi32, #tpu.memory_space<vmem>>
      %dma_start3A_166 = arith.constant 0 : i32
      %dma_start3A_167 = tpu.memref_slice %arg3[%run_scoped3A, %arg1, %dma_start3A_166] : memref<2x16x10240xi32, #tpu.memory_space<hbm>> -> memref<1x1x10240xi32, #tpu.memory_space<hbm>>
      %dma_start3A_168 = tpu.memref_squeeze %dma_start3A_167 : memref<1x1x10240xi32, #tpu.memory_space<hbm>> -> memref<10240xi32, #tpu.memory_space<hbm>>
      %dma_start3A_169 = arith.constant 0 : i32
      %dma_start3A_170 = tpu.memref_slice %arg7[%dma_start3A_169] : memref<10336xi32, #tpu.memory_space<vmem>> -> memref<10240xi32, #tpu.memory_space<vmem>>
      %dma_start3A_171 = arith.constant 0 : i32
      %dma_start3A_172 = tpu.memref_slice %arg3[%run_scoped3A, %arg1, %dma_start3A_171] : memref<2x16x10240xi32, #tpu.memory_space<hbm>> -> memref<1x1x10240xi32, #tpu.memory_space<hbm>>
      %dma_start3A_173 = tpu.memref_squeeze %dma_start3A_172 : memref<1x1x10240xi32, #tpu.memory_space<hbm>> -> memref<10240xi32, #tpu.memory_space<hbm>>
      tpu.enqueue_dma source(%dma_start3A_173 : memref<10240xi32, #tpu.memory_space<hbm>>) target(%dma_start3A_170 : memref<10240xi32, #tpu.memory_space<vmem>>) target_semaphore(%run_scoped3A_163 : memref<!tpu.dma_semaphore, #tpu.memory_space<semaphore_mem>>)
      %dma_wait3A = arith.constant 0 : i32
      %dma_wait3A_174 = tpu.memref_slice %arg7[%dma_wait3A] : memref<10336xi32, #tpu.memory_space<vmem>> -> memref<10240xi32, #tpu.memory_space<vmem>>
      %dma_wait3A_175 = arith.constant 0 : i32
      %dma_wait3A_176 = tpu.memref_slice %arg3[%run_scoped3A, %arg1, %dma_wait3A_175] : memref<2x16x10240xi32, #tpu.memory_space<hbm>> -> memref<1x1x10240xi32, #tpu.memory_space<hbm>>
      %dma_wait3A_177 = tpu.memref_squeeze %dma_wait3A_176 : memref<1x1x10240xi32, #tpu.memory_space<hbm>> -> memref<10240xi32, #tpu.memory_space<hbm>>
      %dma_wait3A_178 = arith.constant 0 : i32
      %dma_wait3A_179 = tpu.memref_slice %arg7[%dma_wait3A_178] : memref<10336xi32, #tpu.memory_space<vmem>> -> memref<10240xi32, #tpu.memory_space<vmem>>
      %dma_wait3A_180 = arith.constant 0 : i32
      %dma_wait3A_181 = tpu.memref_slice %arg3[%run_scoped3A, %arg1, %dma_wait3A_180] : memref<2x16x10240xi32, #tpu.memory_space<hbm>> -> memref<1x1x10240xi32, #tpu.memory_space<hbm>>
      %dma_wait3A_182 = tpu.memref_squeeze %dma_wait3A_181 : memref<1x1x10240xi32, #tpu.memory_space<hbm>> -> memref<10240xi32, #tpu.memory_space<hbm>>
      tpu.wait_dma2 semaphore(%run_scoped3A_163 : memref<!tpu.dma_semaphore, #tpu.memory_space<semaphore_mem>>) src(%dma_wait3A_182 : memref<10240xi32, #tpu.memory_space<hbm>>) dst(%dma_wait3A_179 : memref<10240xi32, #tpu.memory_space<vmem>>)
      tpu.yield
    }) : () -> ()
    %run_scoped3A_3 = arith.constant 1 : i32
    "tpu.region"() ({
      %run_scoped3A_163 = tpu.sem_alloc : memref<!tpu.dma_semaphore, #tpu.memory_space<semaphore_mem>>
      %dma_start3A_164 = arith.constant 0 : i32
      %dma_start3A_165 = tpu.memref_slice %arg8[%dma_start3A_164] : memref<10336xi32, #tpu.memory_space<vmem>> -> memref<10240xi32, #tpu.memory_space<vmem>>
      %dma_start3A_166 = arith.constant 0 : i32
      %dma_start3A_167 = tpu.memref_slice %arg3[%run_scoped3A_3, %arg1, %dma_start3A_166] : memref<2x16x10240xi32, #tpu.memory_space<hbm>> -> memref<1x1x10240xi32, #tpu.memory_space<hbm>>
      %dma_start3A_168 = tpu.memref_squeeze %dma_start3A_167 : memref<1x1x10240xi32, #tpu.memory_space<hbm>> -> memref<10240xi32, #tpu.memory_space<hbm>>
      %dma_start3A_169 = arith.constant 0 : i32
      %dma_start3A_170 = tpu.memref_slice %arg8[%dma_start3A_169] : memref<10336xi32, #tpu.memory_space<vmem>> -> memref<10240xi32, #tpu.memory_space<vmem>>
      %dma_start3A_171 = arith.constant 0 : i32
      %dma_start3A_172 = tpu.memref_slice %arg3[%run_scoped3A_3, %arg1, %dma_start3A_171] : memref<2x16x10240xi32, #tpu.memory_space<hbm>> -> memref<1x1x10240xi32, #tpu.memory_space<hbm>>
      %dma_start3A_173 = tpu.memref_squeeze %dma_start3A_172 : memref<1x1x10240xi32, #tpu.memory_space<hbm>> -> memref<10240xi32, #tpu.memory_space<hbm>>
      tpu.enqueue_dma source(%dma_start3A_173 : memref<10240xi32, #tpu.memory_space<hbm>>) target(%dma_start3A_170 : memref<10240xi32, #tpu.memory_space<vmem>>) target_semaphore(%run_scoped3A_163 : memref<!tpu.dma_semaphore, #tpu.memory_space<semaphore_mem>>)
      %dma_wait3A = arith.constant 0 : i32
      %dma_wait3A_174 = tpu.memref_slice %arg8[%dma_wait3A] : memref<10336xi32, #tpu.memory_space<vmem>> -> memref<10240xi32, #tpu.memory_space<vmem>>
      %dma_wait3A_175 = arith.constant 0 : i32
      %dma_wait3A_176 = tpu.memref_slice %arg3[%run_scoped3A_3, %arg1, %dma_wait3A_175] : memref<2x16x10240xi32, #tpu.memory_space<hbm>> -> memref<1x1x10240xi32, #tpu.memory_space<hbm>>
      %dma_wait3A_177 = tpu.memref_squeeze %dma_wait3A_176 : memref<1x1x10240xi32, #tpu.memory_space<hbm>> -> memref<10240xi32, #tpu.memory_space<hbm>>
      %dma_wait3A_178 = arith.constant 0 : i32
      %dma_wait3A_179 = tpu.memref_slice %arg8[%dma_wait3A_178] : memref<10336xi32, #tpu.memory_space<vmem>> -> memref<10240xi32, #tpu.memory_space<vmem>>
      %dma_wait3A_180 = arith.constant 0 : i32
      %dma_wait3A_181 = tpu.memref_slice %arg3[%run_scoped3A_3, %arg1, %dma_wait3A_180] : memref<2x16x10240xi32, #tpu.memory_space<hbm>> -> memref<1x1x10240xi32, #tpu.memory_space<hbm>>
      %dma_wait3A_182 = tpu.memref_squeeze %dma_wait3A_181 : memref<1x1x10240xi32, #tpu.memory_space<hbm>> -> memref<10240xi32, #tpu.memory_space<hbm>>
      tpu.wait_dma2 semaphore(%run_scoped3A_163 : memref<!tpu.dma_semaphore, #tpu.memory_space<semaphore_mem>>) src(%dma_wait3A_182 : memref<10240xi32, #tpu.memory_space<hbm>>) dst(%dma_wait3A_179 : memref<10240xi32, #tpu.memory_space<vmem>>)
      tpu.yield
    }) : () -> ()
    %scan3A = arith.constant 0 : i32
    %scan3A_4 = arith.constant 0 : i32
    %scan3A_5 = arith.constant 640 : i32
    %scan3A_6 = arith.addi %scan3A_4, %scan3A_5 : i32
    %scan3A_7 = arith.constant 1 : i32
    %scan3A_8 = scf.for %scan3A_163 = %scan3A_4 to %scan3A_6 step %scan3A_7 iter_args(%scan3A_164 = %scan3A) -> (i32)  : i32 {
      %mul3A_165 = arith.constant 1 : i32
      %mul3A_166 = arith.muli %scan3A_163, %mul3A_165 : i32
      %add3A_167 = arith.constant 0 : i32
      %add3A_168 = arith.addi %add3A_167, %mul3A_166 : i32
      %mul3A_169 = arith.constant 16 : i32
      %mul3A_170 = arith.muli %add3A_168, %mul3A_169 : i32
      %get3A_171 = arith.index_cast %mul3A_170 : i32 to index
      %get3A_172 = tpu.vector_load %arg8[%get3A_171] {strides = array<i32>} : memref<10336xi32, #tpu.memory_space<vmem>>, vector<16xi32>,
      %get3A_173 = arith.index_cast %mul3A_170 : i32 to index
      %get3A_174 = tpu.vector_load %arg7[%get3A_173] {strides = array<i32>} : memref<10336xi32, #tpu.memory_space<vmem>>, vector<16xi32>,
      %ge3A = vector.broadcast %mul3A_0 : i32 to vector<16xi32>
      %ge3A_175 = arith.cmpi sge, %get3A_172, %ge3A : vector<16xi32>
      %add3A_176 = arith.constant 5000 : i32
      %add3A_177 = arith.addi %mul3A_0, %add3A_176 : i32
      %lt3A_178 = vector.broadcast %add3A_177 : i32 to vector<16xi32>
      %lt3A_179 = arith.cmpi slt, %get3A_172, %lt3A_178 : vector<16xi32>
      %and3A_180 = arith.andi %ge3A_175, %lt3A_179 : vector<16xi1>
      %sub3A_181 = vector.broadcast %mul3A_0 : i32 to vector<16xi32>
      %sub3A_182 = arith.subi %get3A_172, %sub3A_181 : vector<16xi32>
      %swap3A_183 = arith.index_cast %scan3A_164 : i32 to index
      %swap3A_184 = tpu.vector_load %arg8[%swap3A_183] masked %and3A_180 {strides = array<i32>} : memref<10336xi32, #tpu.memory_space<vmem>>, vector<16xi32>, vector<16xi1>
      tpu.vector_store %arg8[%swap3A_183], %sub3A_182 masked %and3A_180 {strides = array<i32>} : memref<10336xi32, #tpu.memory_space<vmem>>, vector<16xi32>, vector<16xi1>
      %swap3A_185 = arith.index_cast %scan3A_164 : i32 to index
      %swap3A_186 = tpu.vector_load %arg7[%swap3A_185] masked %and3A_180 {strides = array<i32>} : memref<10336xi32, #tpu.memory_space<vmem>>, vector<16xi32>, vector<16xi1>
      tpu.vector_store %arg7[%swap3A_185], %get3A_174 masked %and3A_180 {strides = array<i32>} : memref<10336xi32, #tpu.memory_space<vmem>>, vector<16xi32>, vector<16xi1>
      %all_reduce_population_count3A = tpu.all_reduce %and3A_180 {dim = 0 : i64, kind = #tpu.reduction_kind<sum>} : vector<16xi1> -> vector<16xi32>
      %slice3A = vector.extract_strided_slice %all_reduce_population_count3A {offsets = [0], sizes = [1], strides = [1]} : vector<16xi32> to vector<1xi32>
      %squeeze3A = vector.extract %slice3A[0] : i32 from vector<1xi32>
      %add3A_187 = arith.addi %scan3A_164, %squeeze3A : i32
      scf.yield %add3A_187 : i32
    }
    %scan3A_9 = arith.constant 640 : i32
    %jit3A = arith.constant 16 : i32
    %div3A = arith.divsi %scan3A_8, %jit3A : i32
    %sign3A = arith.constant 0 : i32
    %sign3A_10 = arith.cmpi sgt, %scan3A_8, %sign3A : i32
    %sign3A_11 = arith.extui %sign3A_10 : i1 to i32
    %sign3A_12 = arith.constant 0 : i32
    %sign3A_13 = arith.cmpi slt, %scan3A_8, %sign3A_12 : i32
    %sign3A_14 = arith.extui %sign3A_13 : i1 to i32
    %sign3A_15 = arith.subi %sign3A_11, %sign3A_14 : i32
    %sign3A_16 = arith.constant 0 : i32
    %sign3A_17 = arith.cmpi sgt, %jit3A, %sign3A_16 : i32
    %sign3A_18 = arith.extui %sign3A_17 : i1 to i32
    %sign3A_19 = arith.constant 0 : i32
    %sign3A_20 = arith.cmpi slt, %jit3A, %sign3A_19 : i32
    %sign3A_21 = arith.extui %sign3A_20 : i1 to i32
    %sign3A_22 = arith.subi %sign3A_18, %sign3A_21 : i32
    %ne3A = arith.cmpi ne, %sign3A_15, %sign3A_22 : i32
    %rem3A = arith.remsi %scan3A_8, %jit3A : i32
    %ne3A_23 = arith.constant 0 : i32
    %ne3A_24 = arith.cmpi ne, %rem3A, %ne3A_23 : i32
    %and3A = arith.andi %ne3A, %ne3A_24 : i1
    %sub3A = arith.constant 1 : i32
    %sub3A_25 = arith.subi %div3A, %sub3A : i32
    %select_n3A = arith.select %and3A, %sub3A_25, %div3A : i32
    %mul3A_26 = arith.constant 16 : i32
    %mul3A_27 = arith.muli %select_n3A, %mul3A_26 : i32
    %multiple_of3A = tpu.assume_multiple %mul3A_27, 16 : i32
    %iota3A = tpu.iota {dimensions = array<i32: 0>} : vector<16xi32>
    %sub3A_28 = arith.subi %scan3A_8, %multiple_of3A : i32
    %lt3A = vector.broadcast %sub3A_28 : i32 to vector<16xi32>
    %lt3A_29 = arith.cmpi slt, %iota3A, %lt3A : vector<16xi32>
    %get3A = arith.index_cast %multiple_of3A : i32 to index
    %get3A_30 = tpu.vector_load %arg7[%get3A] {strides = array<i32>} : memref<10336xi32, #tpu.memory_space<vmem>>, vector<16xi32>,
    %jit3A_31 = arith.constant 10000 : i32
    %broadcast_in_dim3A = vector.broadcast %jit3A_31 : i32 to vector<16xi32>
    %select_n3A_32 = arith.select %lt3A_29, %get3A_30, %broadcast_in_dim3A : vector<16xi1>, vector<16xi32>
    %swap3A = arith.index_cast %multiple_of3A : i32 to index
    %swap3A_33 = tpu.vector_load %arg7[%swap3A] {strides = array<i32>} : memref<10336xi32, #tpu.memory_space<vmem>>, vector<16xi32>,
    tpu.vector_store %arg7[%swap3A], %select_n3A_32 {strides = array<i32>} : memref<10336xi32, #tpu.memory_space<vmem>>, vector<16xi32>,
    %get3A_34 = arith.index_cast %multiple_of3A : i32 to index
    %get3A_35 = tpu.vector_load %arg8[%get3A_34] {strides = array<i32>} : memref<10336xi32, #tpu.memory_space<vmem>>, vector<16xi32>,
    %jit3A_36 = arith.constant 5000 : i32
    %broadcast_in_dim3A_37 = vector.broadcast %jit3A_36 : i32 to vector<16xi32>
    %select_n3A_38 = arith.select %lt3A_29, %get3A_35, %broadcast_in_dim3A_37 : vector<16xi1>, vector<16xi32>
    %swap3A_39 = arith.index_cast %multiple_of3A : i32 to index
    %swap3A_40 = tpu.vector_load %arg8[%swap3A_39] {strides = array<i32>} : memref<10336xi32, #tpu.memory_space<vmem>>, vector<16xi32>,
    tpu.vector_store %arg8[%swap3A_39], %select_n3A_38 {strides = array<i32>} : memref<10336xi32, #tpu.memory_space<vmem>>, vector<16xi32>,
    %add3A = arith.constant 16 : i32
    %add3A_41 = arith.addi %multiple_of3A, %add3A : i32
    %broadcast_in_dim3A_42 = arith.constant 10000 : i32
    %broadcast_in_dim3A_43 = vector.broadcast %broadcast_in_dim3A_42 : i32 to vector<16xi32>
    %swap3A_44 = arith.index_cast %add3A_41 : i32 to index
    %swap3A_45 = tpu.vector_load %arg7[%swap3A_44] {strides = array<i32>} : memref<10336xi32, #tpu.memory_space<vmem>>, vector<16xi32>,
    tpu.vector_store %arg7[%swap3A_44], %broadcast_in_dim3A_43 {strides = array<i32>} : memref<10336xi32, #tpu.memory_space<vmem>>, vector<16xi32>,
    %broadcast_in_dim3A_46 = arith.constant 5000 : i32
    %broadcast_in_dim3A_47 = vector.broadcast %broadcast_in_dim3A_46 : i32 to vector<16xi32>
    %swap3A_48 = arith.index_cast %add3A_41 : i32 to index
    %swap3A_49 = tpu.vector_load %arg8[%swap3A_48] {strides = array<i32>} : memref<10336xi32, #tpu.memory_space<vmem>>, vector<16xi32>,
    tpu.vector_store %arg8[%swap3A_48], %broadcast_in_dim3A_47 {strides = array<i32>} : memref<10336xi32, #tpu.memory_space<vmem>>, vector<16xi32>,
    %add3A_50 = arith.constant 32 : i32
    %add3A_51 = arith.addi %multiple_of3A, %add3A_50 : i32
    %broadcast_in_dim3A_52 = arith.constant 10000 : i32
    %broadcast_in_dim3A_53 = vector.broadcast %broadcast_in_dim3A_52 : i32 to vector<16xi32>
    %swap3A_54 = arith.index_cast %add3A_51 : i32 to index
    %swap3A_55 = tpu.vector_load %arg7[%swap3A_54] {strides = array<i32>} : memref<10336xi32, #tpu.memory_space<vmem>>, vector<16xi32>,
    tpu.vector_store %arg7[%swap3A_54], %broadcast_in_dim3A_53 {strides = array<i32>} : memref<10336xi32, #tpu.memory_space<vmem>>, vector<16xi32>,
    %broadcast_in_dim3A_56 = arith.constant 5000 : i32
    %broadcast_in_dim3A_57 = vector.broadcast %broadcast_in_dim3A_56 : i32 to vector<16xi32>
    %swap3A_58 = arith.index_cast %add3A_51 : i32 to index
    %swap3A_59 = tpu.vector_load %arg8[%swap3A_58] {strides = array<i32>} : memref<10336xi32, #tpu.memory_space<vmem>>, vector<16xi32>,
    tpu.vector_store %arg8[%swap3A_58], %broadcast_in_dim3A_57 {strides = array<i32>} : memref<10336xi32, #tpu.memory_space<vmem>>, vector<16xi32>,
    %add3A_60 = arith.constant 48 : i32
    %add3A_61 = arith.addi %multiple_of3A, %add3A_60 : i32
    %broadcast_in_dim3A_62 = arith.constant 10000 : i32
    %broadcast_in_dim3A_63 = vector.broadcast %broadcast_in_dim3A_62 : i32 to vector<16xi32>
    %swap3A_64 = arith.index_cast %add3A_61 : i32 to index
    %swap3A_65 = tpu.vector_load %arg7[%swap3A_64] {strides = array<i32>} : memref<10336xi32, #tpu.memory_space<vmem>>, vector<16xi32>,
    tpu.vector_store %arg7[%swap3A_64], %broadcast_in_dim3A_63 {strides = array<i32>} : memref<10336xi32, #tpu.memory_space<vmem>>, vector<16xi32>,
    %broadcast_in_dim3A_66 = arith.constant 5000 : i32
    %broadcast_in_dim3A_67 = vector.broadcast %broadcast_in_dim3A_66 : i32 to vector<16xi32>
    %swap3A_68 = arith.index_cast %add3A_61 : i32 to index
    %swap3A_69 = tpu.vector_load %arg8[%swap3A_68] {strides = array<i32>} : memref<10336xi32, #tpu.memory_space<vmem>>, vector<16xi32>,
    tpu.vector_store %arg8[%swap3A_68], %broadcast_in_dim3A_67 {strides = array<i32>} : memref<10336xi32, #tpu.memory_space<vmem>>, vector<16xi32>,
    %add3A_70 = arith.constant 64 : i32
    %add3A_71 = arith.addi %multiple_of3A, %add3A_70 : i32
    %broadcast_in_dim3A_72 = arith.constant 10000 : i32
    %broadcast_in_dim3A_73 = vector.broadcast %broadcast_in_dim3A_72 : i32 to vector<16xi32>
    %swap3A_74 = arith.index_cast %add3A_71 : i32 to index
    %swap3A_75 = tpu.vector_load %arg7[%swap3A_74] {strides = array<i32>} : memref<10336xi32, #tpu.memory_space<vmem>>, vector<16xi32>,
    tpu.vector_store %arg7[%swap3A_74], %broadcast_in_dim3A_73 {strides = array<i32>} : memref<10336xi32, #tpu.memory_space<vmem>>, vector<16xi32>,
    %broadcast_in_dim3A_76 = arith.constant 5000 : i32
    %broadcast_in_dim3A_77 = vector.broadcast %broadcast_in_dim3A_76 : i32 to vector<16xi32>
    %swap3A_78 = arith.index_cast %add3A_71 : i32 to index
    %swap3A_79 = tpu.vector_load %arg8[%swap3A_78] {strides = array<i32>} : memref<10336xi32, #tpu.memory_space<vmem>>, vector<16xi32>,
    tpu.vector_store %arg8[%swap3A_78], %broadcast_in_dim3A_77 {strides = array<i32>} : memref<10336xi32, #tpu.memory_space<vmem>>, vector<16xi32>,
    %add3A_80 = arith.constant 80 : i32
    %add3A_81 = arith.addi %multiple_of3A, %add3A_80 : i32
    %broadcast_in_dim3A_82 = arith.constant 10000 : i32
    %broadcast_in_dim3A_83 = vector.broadcast %broadcast_in_dim3A_82 : i32 to vector<16xi32>
    %swap3A_84 = arith.index_cast %add3A_81 : i32 to index
    %swap3A_85 = tpu.vector_load %arg7[%swap3A_84] {strides = array<i32>} : memref<10336xi32, #tpu.memory_space<vmem>>, vector<16xi32>,
    tpu.vector_store %arg7[%swap3A_84], %broadcast_in_dim3A_83 {strides = array<i32>} : memref<10336xi32, #tpu.memory_space<vmem>>, vector<16xi32>,
    %broadcast_in_dim3A_86 = arith.constant 5000 : i32
    %broadcast_in_dim3A_87 = vector.broadcast %broadcast_in_dim3A_86 : i32 to vector<16xi32>
    %swap3A_88 = arith.index_cast %add3A_81 : i32 to index
    %swap3A_89 = tpu.vector_load %arg8[%swap3A_88] {strides = array<i32>} : memref<10336xi32, #tpu.memory_space<vmem>>, vector<16xi32>,
    tpu.vector_store %arg8[%swap3A_88], %broadcast_in_dim3A_87 {strides = array<i32>} : memref<10336xi32, #tpu.memory_space<vmem>>, vector<16xi32>,
    %add3A_90 = arith.constant 80 : i32
    %add3A_91 = arith.addi %scan3A_8, %add3A_90 : i32
    %sub3A_92 = arith.constant 1 : i32
    %sub3A_93 = arith.subi %add3A_91, %sub3A_92 : i32
    %jit3A_94 = arith.constant 80 : i32
    %div3A_95 = arith.divsi %sub3A_93, %jit3A_94 : i32
    %sign3A_96 = arith.constant 0 : i32
    %sign3A_97 = arith.cmpi sgt, %sub3A_93, %sign3A_96 : i32
    %sign3A_98 = arith.extui %sign3A_97 : i1 to i32
    %sign3A_99 = arith.constant 0 : i32
    %sign3A_100 = arith.cmpi slt, %sub3A_93, %sign3A_99 : i32
    %sign3A_101 = arith.extui %sign3A_100 : i1 to i32
    %sign3A_102 = arith.subi %sign3A_98, %sign3A_101 : i32
    %sign3A_103 = arith.constant 0 : i32
    %sign3A_104 = arith.cmpi sgt, %jit3A_94, %sign3A_103 : i32
    %sign3A_105 = arith.extui %sign3A_104 : i1 to i32
    %sign3A_106 = arith.constant 0 : i32
    %sign3A_107 = arith.cmpi slt, %jit3A_94, %sign3A_106 : i32
    %sign3A_108 = arith.extui %sign3A_107 : i1 to i32
    %sign3A_109 = arith.subi %sign3A_105, %sign3A_108 : i32
    %ne3A_110 = arith.cmpi ne, %sign3A_102, %sign3A_109 : i32
    %rem3A_111 = arith.remsi %sub3A_93, %jit3A_94 : i32
    %ne3A_112 = arith.constant 0 : i32
    %ne3A_113 = arith.cmpi ne, %rem3A_111, %ne3A_112 : i32
    %and3A_114 = arith.andi %ne3A_110, %ne3A_113 : i1
    %sub3A_115 = arith.constant 1 : i32
    %sub3A_116 = arith.subi %div3A_95, %sub3A_115 : i32
    %select_n3A_117 = arith.select %and3A_114, %sub3A_116, %div3A_95 : i32
    %mul3A_118 = arith.constant 5 : i32
    %mul3A_119 = arith.muli %mul3A_118, %select_n3A_117 : i32
    %max3A = arith.constant 5 : i32
    %max3A_120 = arith.maxsi %mul3A_119, %max3A : i32
    %barrier3A = arith.constant 0 : index
    tpu.barrier barrier_id(%barrier3A)
    %dma_start3A = arith.constant 0 : i32
    %dma_start3A_121 = tpu.memref_slice %arg7[%dma_start3A] : memref<10336xi32, #tpu.memory_space<vmem>> -> memref<16xi32, #tpu.memory_space<vmem>>
    %dma_start3A_122 = arith.constant 0 : i32
    %dma_start3A_123 = arith.constant 0 : i32
    %dma_start3A_124 = tpu.memref_slice %arg2[%dma_start3A_122, %dma_start3A_123] : memref<10008x272xf32, #tpu.memory_space<hbm>> -> memref<10008x272xf32, #tpu.memory_space<hbm>>
    tpu.enqueue_indirect_dma source(%dma_start3A_124 : memref<10008x272xf32, #tpu.memory_space<hbm>>) target(%arg9 : memref<16x272xf32, #tpu.memory_space<vmem>>) offsets(%dma_start3A_121 : memref<16xi32, #tpu.memory_space<vmem>>) semaphore(%arg14 : memref<!tpu.dma_semaphore, #tpu.memory_space<semaphore_mem>>)
    %dma_start3A_125 = arith.constant 16 : i32
    %dma_start3A_126 = tpu.memref_slice %arg7[%dma_start3A_125] : memref<10336xi32, #tpu.memory_space<vmem>> -> memref<16xi32, #tpu.memory_space<vmem>>
    %dma_start3A_127 = arith.constant 0 : i32
    %dma_start3A_128 = arith.constant 0 : i32
    %dma_start3A_129 = tpu.memref_slice %arg2[%dma_start3A_127, %dma_start3A_128] : memref<10008x272xf32, #tpu.memory_space<hbm>> -> memref<10008x272xf32, #tpu.memory_space<hbm>>
    tpu.enqueue_indirect_dma source(%dma_start3A_129 : memref<10008x272xf32, #tpu.memory_space<hbm>>) target(%arg10 : memref<16x272xf32, #tpu.memory_space<vmem>>) offsets(%dma_start3A_126 : memref<16xi32, #tpu.memory_space<vmem>>) semaphore(%arg15 : memref<!tpu.dma_semaphore, #tpu.memory_space<semaphore_mem>>)
    %dma_start3A_130 = arith.constant 32 : i32
    %dma_start3A_131 = tpu.memref_slice %arg7[%dma_start3A_130] : memref<10336xi32, #tpu.memory_space<vmem>> -> memref<16xi32, #tpu.memory_space<vmem>>
    %dma_start3A_132 = arith.constant 0 : i32
    %dma_start3A_133 = arith.constant 0 : i32
    %dma_start3A_134 = tpu.memref_slice %arg2[%dma_start3A_132, %dma_start3A_133] : memref<10008x272xf32, #tpu.memory_space<hbm>> -> memref<10008x272xf32, #tpu.memory_space<hbm>>
    tpu.enqueue_indirect_dma source(%dma_start3A_134 : memref<10008x272xf32, #tpu.memory_space<hbm>>) target(%arg11 : memref<16x272xf32, #tpu.memory_space<vmem>>) offsets(%dma_start3A_131 : memref<16xi32, #tpu.memory_space<vmem>>) semaphore(%arg16 : memref<!tpu.dma_semaphore, #tpu.memory_space<semaphore_mem>>)
    %dma_start3A_135 = arith.constant 48 : i32
    %dma_start3A_136 = tpu.memref_slice %arg7[%dma_start3A_135] : memref<10336xi32, #tpu.memory_space<vmem>> -> memref<16xi32, #tpu.memory_space<vmem>>
    %dma_start3A_137 = arith.constant 0 : i32
    %dma_start3A_138 = arith.constant 0 : i32
    %dma_start3A_139 = tpu.memref_slice %arg2[%dma_start3A_137, %dma_start3A_138] : memref<10008x272xf32, #tpu.memory_space<hbm>> -> memref<10008x272xf32, #tpu.memory_space<hbm>>
    tpu.enqueue_indirect_dma source(%dma_start3A_139 : memref<10008x272xf32, #tpu.memory_space<hbm>>) target(%arg12 : memref<16x272xf32, #tpu.memory_space<vmem>>) offsets(%dma_start3A_136 : memref<16xi32, #tpu.memory_space<vmem>>) semaphore(%arg17 : memref<!tpu.dma_semaphore, #tpu.memory_space<semaphore_mem>>)
    %sub3A_140 = arith.constant 0 : i32
    %sub3A_141 = arith.subi %max3A_120, %sub3A_140 : i32
    %sub3A_142 = arith.constant 5 : i32
    %sub3A_143 = arith.constant 1 : i32
    %sub3A_144 = arith.subi %sub3A_142, %sub3A_143 : i32
    %add3A_145 = arith.addi %sub3A_141, %sub3A_144 : i32
    %div3A_146 = arith.constant 5 : i32
    %div3A_147 = arith.divsi %add3A_145, %div3A_146 : i32
    %while3A = arith.constant 5 : i32
    %while3A_148 = arith.constant 0 : i32
    %while3A_149 = arith.constant 0 : i32
    %while3A_150 = arith.subi %div3A_147, %while3A_149 : i32
    %while3A_151 = arith.addi %while3A_149, %while3A_150 : i32
    %while3A_152 = arith.constant 1 : i32
    %while3A_153 = arith.divsi %while3A_150, %while3A_152 : i32
    %while3A_154 = arith.muli %while3A_153, %while3A_152 : i32
    %while3A_155 = arith.addi %while3A_149, %while3A_154 : i32
    %while3A_156 = arith.constant 1 : i32
    scf.for %while3A_163 = %while3A_149 to %while3A_155 step %while3A_156  : i32 {
      %mul3A_164 = arith.muli %while3A_163, %while3A : i32
      %add3A_165 = arith.addi %while3A_148, %mul3A_164 : i32
      %add3A_166 = arith.constant 0 : i32
      %add3A_167 = arith.addi %add3A_165, %add3A_166 : i32
      %mul3A_168 = arith.constant 16 : i32
      %mul3A_169 = arith.muli %add3A_167, %mul3A_168 : i32
      %dma_wait3A = tpu.memref_slice %arg7[%mul3A_169] : memref<10336xi32, #tpu.memory_space<vmem>> -> memref<16xi32, #tpu.memory_space<vmem>>
      %dma_wait3A_170 = arith.constant 0 : i32
      %dma_wait3A_171 = arith.constant 0 : i32
      %dma_wait3A_172 = tpu.memref_slice %arg2[%dma_wait3A_170, %dma_wait3A_171] : memref<10008x272xf32, #tpu.memory_space<hbm>> -> memref<10008x272xf32, #tpu.memory_space<hbm>>
      tpu.wait_indirect_dma semaphore(%arg14 : memref<!tpu.dma_semaphore, #tpu.memory_space<semaphore_mem>>) src(%dma_wait3A_172 : memref<10008x272xf32, #tpu.memory_space<hbm>>) dst(%arg9 : memref<16x272xf32, #tpu.memory_space<vmem>>)
      %add3A_173 = arith.constant 5 : i32
      %add3A_174 = arith.addi %add3A_167, %add3A_173 : i32
      %sub3A_175 = arith.constant 1 : i32
      %sub3A_176 = arith.subi %add3A_174, %sub3A_175 : i32
      %lt3A_177 = arith.cmpi slt, %sub3A_176, %max3A_120 : i32
      %convert_element_type3A = arith.extui %lt3A_177 : i1 to i32
      %cond3A = arith.constant 0 : i32
      %cond3A_178 = arith.cmpi ne, %convert_element_type3A, %cond3A : i32
      scf.if %cond3A_178 {
        %add3A_263 = arith.constant 5 : i32
        %add3A_264 = arith.addi %add3A_167, %add3A_263 : i32
        %sub3A_265 = arith.constant 1 : i32
        %sub3A_266 = arith.subi %add3A_264, %sub3A_265 : i32
        %mul3A_267 = arith.constant 16 : i32
        %mul3A_268 = arith.muli %sub3A_266, %mul3A_267 : i32
        %dma_start3A_269 = tpu.memref_slice %arg7[%mul3A_268] : memref<10336xi32, #tpu.memory_space<vmem>> -> memref<16xi32, #tpu.memory_space<vmem>>
        %dma_start3A_270 = arith.constant 0 : i32
        %dma_start3A_271 = arith.constant 0 : i32
        %dma_start3A_272 = tpu.memref_slice %arg2[%dma_start3A_270, %dma_start3A_271] : memref<10008x272xf32, #tpu.memory_space<hbm>> -> memref<10008x272xf32, #tpu.memory_space<hbm>>
        tpu.enqueue_indirect_dma source(%dma_start3A_272 : memref<10008x272xf32, #tpu.memory_space<hbm>>) target(%arg13 : memref<16x272xf32, #tpu.memory_space<vmem>>) offsets(%dma_start3A_269 : memref<16xi32, #tpu.memory_space<vmem>>) semaphore(%arg18 : memref<!tpu.dma_semaphore, #tpu.memory_space<semaphore_mem>>)
      } else {
      }
      %mul3A_179 = arith.constant 16 : i32
      %mul3A_180 = arith.muli %add3A_167, %mul3A_179 : i32
      %get3A_181 = arith.index_cast %mul3A_180 : i32 to index
      %get3A_182 = tpu.vector_load %arg8[%get3A_181] {strides = array<i32>} : memref<10336xi32, #tpu.memory_space<vmem>>, vector<16xi32>,
      "tpu.region"() ({
        %run_scoped3A_263 = tpu.sem_alloc : memref<!tpu.dma_semaphore, #tpu.memory_space<semaphore_mem>>
        %dma_start3A_264 = arith.constant 0 : i32
        %dma_start3A_265 = arith.constant 0 : i32
        %dma_start3A_266 = tpu.memref_slice %arg6[%dma_start3A_264, %dma_start3A_265] : memref<5056x272xf32, #tpu.memory_space<vmem_shared>> -> memref<5056x272xf32, #tpu.memory_space<vmem_shared>>
        tpu.enqueue_indirect_dma source(%arg9 : memref<16x272xf32, #tpu.memory_space<vmem>>) target(%dma_start3A_266 : memref<5056x272xf32, #tpu.memory_space<vmem_shared>>) offsets(%get3A_182 : vector<16xi32>) semaphore(%run_scoped3A_263 : memref<!tpu.dma_semaphore, #tpu.memory_space<semaphore_mem>>) {add = true}
        %dma_wait3A_267 = arith.constant 0 : i32
        %dma_wait3A_268 = arith.constant 0 : i32
        %dma_wait3A_269 = tpu.memref_slice %arg6[%dma_wait3A_267, %dma_wait3A_268] : memref<5056x272xf32, #tpu.memory_space<vmem_shared>> -> memref<5056x272xf32, #tpu.memory_space<vmem_shared>>
        tpu.wait_indirect_dma semaphore(%run_scoped3A_263 : memref<!tpu.dma_semaphore, #tpu.memory_space<semaphore_mem>>) src(%arg9 : memref<16x272xf32, #tpu.memory_space<vmem>>) dst(%dma_wait3A_269 : memref<5056x272xf32, #tpu.memory_space<vmem_shared>>)
        tpu.yield
      }) : () -> ()
      %add3A_183 = arith.constant 1 : i32
      %add3A_184 = arith.addi %add3A_165, %add3A_183 : i32
      %mul3A_185 = arith.constant 16 : i32
      %mul3A_186 = arith.muli %add3A_184, %mul3A_185 : i32
      %dma_wait3A_187 = tpu.memref_slice %arg7[%mul3A_186] : memref<10336xi32, #tpu.memory_space<vmem>> -> memref<16xi32, #tpu.memory_space<vmem>>
      %dma_wait3A_188 = arith.constant 0 : i32
      %dma_wait3A_189 = arith.constant 0 : i32
      %dma_wait3A_190 = tpu.memref_slice %arg2[%dma_wait3A_188, %dma_wait3A_189] : memref<10008x272xf32, #tpu.memory_space<hbm>> -> memref<10008x272xf32, #tpu.memory_space<hbm>>
      tpu.wait_indirect_dma semaphore(%arg15 : memref<!tpu.dma_semaphore, #tpu.memory_space<semaphore_mem>>) src(%dma_wait3A_190 : memref<10008x272xf32, #tpu.memory_space<hbm>>) dst(%arg10 : memref<16x272xf32, #tpu.memory_space<vmem>>)
      %add3A_191 = arith.constant 5 : i32
      %add3A_192 = arith.addi %add3A_184, %add3A_191 : i32
      %sub3A_193 = arith.constant 1 : i32
      %sub3A_194 = arith.subi %add3A_192, %sub3A_193 : i32
      %lt3A_195 = arith.cmpi slt, %sub3A_194, %max3A_120 : i32
      %convert_element_type3A_196 = arith.extui %lt3A_195 : i1 to i32
      %cond3A_197 = arith.constant 0 : i32
      %cond3A_198 = arith.cmpi ne, %convert_element_type3A_196, %cond3A_197 : i32
      scf.if %cond3A_198 {
        %add3A_263 = arith.constant 5 : i32
        %add3A_264 = arith.addi %add3A_184, %add3A_263 : i32
        %sub3A_265 = arith.constant 1 : i32
        %sub3A_266 = arith.subi %add3A_264, %sub3A_265 : i32
        %mul3A_267 = arith.constant 16 : i32
        %mul3A_268 = arith.muli %sub3A_266, %mul3A_267 : i32
        %dma_start3A_269 = tpu.memref_slice %arg7[%mul3A_268] : memref<10336xi32, #tpu.memory_space<vmem>> -> memref<16xi32, #tpu.memory_space<vmem>>
        %dma_start3A_270 = arith.constant 0 : i32
        %dma_start3A_271 = arith.constant 0 : i32
        %dma_start3A_272 = tpu.memref_slice %arg2[%dma_start3A_270, %dma_start3A_271] : memref<10008x272xf32, #tpu.memory_space<hbm>> -> memref<10008x272xf32, #tpu.memory_space<hbm>>
        tpu.enqueue_indirect_dma source(%dma_start3A_272 : memref<10008x272xf32, #tpu.memory_space<hbm>>) target(%arg9 : memref<16x272xf32, #tpu.memory_space<vmem>>) offsets(%dma_start3A_269 : memref<16xi32, #tpu.memory_space<vmem>>) semaphore(%arg14 : memref<!tpu.dma_semaphore, #tpu.memory_space<semaphore_mem>>)
      } else {
      }
      %mul3A_199 = arith.constant 16 : i32
      %mul3A_200 = arith.muli %add3A_184, %mul3A_199 : i32
      %get3A_201 = arith.index_cast %mul3A_200 : i32 to index
      %get3A_202 = tpu.vector_load %arg8[%get3A_201] {strides = array<i32>} : memref<10336xi32, #tpu.memory_space<vmem>>, vector<16xi32>,
      "tpu.region"() ({
        %run_scoped3A_263 = tpu.sem_alloc : memref<!tpu.dma_semaphore, #tpu.memory_space<semaphore_mem>>
        %dma_start3A_264 = arith.constant 0 : i32
        %dma_start3A_265 = arith.constant 0 : i32
        %dma_start3A_266 = tpu.memref_slice %arg6[%dma_start3A_264, %dma_start3A_265] : memref<5056x272xf32, #tpu.memory_space<vmem_shared>> -> memref<5056x272xf32, #tpu.memory_space<vmem_shared>>
        tpu.enqueue_indirect_dma source(%arg10 : memref<16x272xf32, #tpu.memory_space<vmem>>) target(%dma_start3A_266 : memref<5056x272xf32, #tpu.memory_space<vmem_shared>>) offsets(%get3A_202 : vector<16xi32>) semaphore(%run_scoped3A_263 : memref<!tpu.dma_semaphore, #tpu.memory_space<semaphore_mem>>) {add = true}
        %dma_wait3A_267 = arith.constant 0 : i32
        %dma_wait3A_268 = arith.constant 0 : i32
        %dma_wait3A_269 = tpu.memref_slice %arg6[%dma_wait3A_267, %dma_wait3A_268] : memref<5056x272xf32, #tpu.memory_space<vmem_shared>> -> memref<5056x272xf32, #tpu.memory_space<vmem_shared>>
        tpu.wait_indirect_dma semaphore(%run_scoped3A_263 : memref<!tpu.dma_semaphore, #tpu.memory_space<semaphore_mem>>) src(%arg10 : memref<16x272xf32, #tpu.memory_space<vmem>>) dst(%dma_wait3A_269 : memref<5056x272xf32, #tpu.memory_space<vmem_shared>>)
        tpu.yield
      }) : () -> ()
      %add3A_203 = arith.constant 2 : i32
      %add3A_204 = arith.addi %add3A_165, %add3A_203 : i32
      %mul3A_205 = arith.constant 16 : i32
      %mul3A_206 = arith.muli %add3A_204, %mul3A_205 : i32
      %dma_wait3A_207 = tpu.memref_slice %arg7[%mul3A_206] : memref<10336xi32, #tpu.memory_space<vmem>> -> memref<16xi32, #tpu.memory_space<vmem>>
      %dma_wait3A_208 = arith.constant 0 : i32
      %dma_wait3A_209 = arith.constant 0 : i32
      %dma_wait3A_210 = tpu.memref_slice %arg2[%dma_wait3A_208, %dma_wait3A_209] : memref<10008x272xf32, #tpu.memory_space<hbm>> -> memref<10008x272xf32, #tpu.memory_space<hbm>>
      tpu.wait_indirect_dma semaphore(%arg16 : memref<!tpu.dma_semaphore, #tpu.memory_space<semaphore_mem>>) src(%dma_wait3A_210 : memref<10008x272xf32, #tpu.memory_space<hbm>>) dst(%arg11 : memref<16x272xf32, #tpu.memory_space<vmem>>)
      %add3A_211 = arith.constant 5 : i32
      %add3A_212 = arith.addi %add3A_204, %add3A_211 : i32
      %sub3A_213 = arith.constant 1 : i32
      %sub3A_214 = arith.subi %add3A_212, %sub3A_213 : i32
      %lt3A_215 = arith.cmpi slt, %sub3A_214, %max3A_120 : i32
      %convert_element_type3A_216 = arith.extui %lt3A_215 : i1 to i32
      %cond3A_217 = arith.constant 0 : i32
      %cond3A_218 = arith.cmpi ne, %convert_element_type3A_216, %cond3A_217 : i32
      scf.if %cond3A_218 {
        %add3A_263 = arith.constant 5 : i32
        %add3A_264 = arith.addi %add3A_204, %add3A_263 : i32
        %sub3A_265 = arith.constant 1 : i32
        %sub3A_266 = arith.subi %add3A_264, %sub3A_265 : i32
        %mul3A_267 = arith.constant 16 : i32
        %mul3A_268 = arith.muli %sub3A_266, %mul3A_267 : i32
        %dma_start3A_269 = tpu.memref_slice %arg7[%mul3A_268] : memref<10336xi32, #tpu.memory_space<vmem>> -> memref<16xi32, #tpu.memory_space<vmem>>
        %dma_start3A_270 = arith.constant 0 : i32
        %dma_start3A_271 = arith.constant 0 : i32
        %dma_start3A_272 = tpu.memref_slice %arg2[%dma_start3A_270, %dma_start3A_271] : memref<10008x272xf32, #tpu.memory_space<hbm>> -> memref<10008x272xf32, #tpu.memory_space<hbm>>
        tpu.enqueue_indirect_dma source(%dma_start3A_272 : memref<10008x272xf32, #tpu.memory_space<hbm>>) target(%arg10 : memref<16x272xf32, #tpu.memory_space<vmem>>) offsets(%dma_start3A_269 : memref<16xi32, #tpu.memory_space<vmem>>) semaphore(%arg15 : memref<!tpu.dma_semaphore, #tpu.memory_space<semaphore_mem>>)
      } else {
      }
      %mul3A_219 = arith.constant 16 : i32
      %mul3A_220 = arith.muli %add3A_204, %mul3A_219 : i32
      %get3A_221 = arith.index_cast %mul3A_220 : i32 to index
      %get3A_222 = tpu.vector_load %arg8[%get3A_221] {strides = array<i32>} : memref<10336xi32, #tpu.memory_space<vmem>>, vector<16xi32>,
      "tpu.region"() ({
        %run_scoped3A_263 = tpu.sem_alloc : memref<!tpu.dma_semaphore, #tpu.memory_space<semaphore_mem>>
        %dma_start3A_264 = arith.constant 0 : i32
        %dma_start3A_265 = arith.constant 0 : i32
        %dma_start3A_266 = tpu.memref_slice %arg6[%dma_start3A_264, %dma_start3A_265] : memref<5056x272xf32, #tpu.memory_space<vmem_shared>> -> memref<5056x272xf32, #tpu.memory_space<vmem_shared>>
        tpu.enqueue_indirect_dma source(%arg11 : memref<16x272xf32, #tpu.memory_space<vmem>>) target(%dma_start3A_266 : memref<5056x272xf32, #tpu.memory_space<vmem_shared>>) offsets(%get3A_222 : vector<16xi32>) semaphore(%run_scoped3A_263 : memref<!tpu.dma_semaphore, #tpu.memory_space<semaphore_mem>>) {add = true}
        %dma_wait3A_267 = arith.constant 0 : i32
        %dma_wait3A_268 = arith.constant 0 : i32
        %dma_wait3A_269 = tpu.memref_slice %arg6[%dma_wait3A_267, %dma_wait3A_268] : memref<5056x272xf32, #tpu.memory_space<vmem_shared>> -> memref<5056x272xf32, #tpu.memory_space<vmem_shared>>
        tpu.wait_indirect_dma semaphore(%run_scoped3A_263 : memref<!tpu.dma_semaphore, #tpu.memory_space<semaphore_mem>>) src(%arg11 : memref<16x272xf32, #tpu.memory_space<vmem>>) dst(%dma_wait3A_269 : memref<5056x272xf32, #tpu.memory_space<vmem_shared>>)
        tpu.yield
      }) : () -> ()
      %add3A_223 = arith.constant 3 : i32
      %add3A_224 = arith.addi %add3A_165, %add3A_223 : i32
      %mul3A_225 = arith.constant 16 : i32
      %mul3A_226 = arith.muli %add3A_224, %mul3A_225 : i32
      %dma_wait3A_227 = tpu.memref_slice %arg7[%mul3A_226] : memref<10336xi32, #tpu.memory_space<vmem>> -> memref<16xi32, #tpu.memory_space<vmem>>
      %dma_wait3A_228 = arith.constant 0 : i32
      %dma_wait3A_229 = arith.constant 0 : i32
      %dma_wait3A_230 = tpu.memref_slice %arg2[%dma_wait3A_228, %dma_wait3A_229] : memref<10008x272xf32, #tpu.memory_space<hbm>> -> memref<10008x272xf32, #tpu.memory_space<hbm>>
      tpu.wait_indirect_dma semaphore(%arg17 : memref<!tpu.dma_semaphore, #tpu.memory_space<semaphore_mem>>) src(%dma_wait3A_230 : memref<10008x272xf32, #tpu.memory_space<hbm>>) dst(%arg12 : memref<16x272xf32, #tpu.memory_space<vmem>>)
      %add3A_231 = arith.constant 5 : i32
      %add3A_232 = arith.addi %add3A_224, %add3A_231 : i32
      %sub3A_233 = arith.constant 1 : i32
      %sub3A_234 = arith.subi %add3A_232, %sub3A_233 : i32
      %lt3A_235 = arith.cmpi slt, %sub3A_234, %max3A_120 : i32
      %convert_element_type3A_236 = arith.extui %lt3A_235 : i1 to i32
      %cond3A_237 = arith.constant 0 : i32
      %cond3A_238 = arith.cmpi ne, %convert_element_type3A_236, %cond3A_237 : i32
      scf.if %cond3A_238 {
        %add3A_263 = arith.constant 5 : i32
        %add3A_264 = arith.addi %add3A_224, %add3A_263 : i32
        %sub3A_265 = arith.constant 1 : i32
        %sub3A_266 = arith.subi %add3A_264, %sub3A_265 : i32
        %mul3A_267 = arith.constant 16 : i32
        %mul3A_268 = arith.muli %sub3A_266, %mul3A_267 : i32
        %dma_start3A_269 = tpu.memref_slice %arg7[%mul3A_268] : memref<10336xi32, #tpu.memory_space<vmem>> -> memref<16xi32, #tpu.memory_space<vmem>>
        %dma_start3A_270 = arith.constant 0 : i32
        %dma_start3A_271 = arith.constant 0 : i32
        %dma_start3A_272 = tpu.memref_slice %arg2[%dma_start3A_270, %dma_start3A_271] : memref<10008x272xf32, #tpu.memory_space<hbm>> -> memref<10008x272xf32, #tpu.memory_space<hbm>>
        tpu.enqueue_indirect_dma source(%dma_start3A_272 : memref<10008x272xf32, #tpu.memory_space<hbm>>) target(%arg11 : memref<16x272xf32, #tpu.memory_space<vmem>>) offsets(%dma_start3A_269 : memref<16xi32, #tpu.memory_space<vmem>>) semaphore(%arg16 : memref<!tpu.dma_semaphore, #tpu.memory_space<semaphore_mem>>)
      } else {
      }
      %mul3A_239 = arith.constant 16 : i32
      %mul3A_240 = arith.muli %add3A_224, %mul3A_239 : i32
      %get3A_241 = arith.index_cast %mul3A_240 : i32 to index
      %get3A_242 = tpu.vector_load %arg8[%get3A_241] {strides = array<i32>} : memref<10336xi32, #tpu.memory_space<vmem>>, vector<16xi32>,
      "tpu.region"() ({
        %run_scoped3A_263 = tpu.sem_alloc : memref<!tpu.dma_semaphore, #tpu.memory_space<semaphore_mem>>
        %dma_start3A_264 = arith.constant 0 : i32
        %dma_start3A_265 = arith.constant 0 : i32
        %dma_start3A_266 = tpu.memref_slice %arg6[%dma_start3A_264, %dma_start3A_265] : memref<5056x272xf32, #tpu.memory_space<vmem_shared>> -> memref<5056x272xf32, #tpu.memory_space<vmem_shared>>
        tpu.enqueue_indirect_dma source(%arg12 : memref<16x272xf32, #tpu.memory_space<vmem>>) target(%dma_start3A_266 : memref<5056x272xf32, #tpu.memory_space<vmem_shared>>) offsets(%get3A_242 : vector<16xi32>) semaphore(%run_scoped3A_263 : memref<!tpu.dma_semaphore, #tpu.memory_space<semaphore_mem>>) {add = true}
        %dma_wait3A_267 = arith.constant 0 : i32
        %dma_wait3A_268 = arith.constant 0 : i32
        %dma_wait3A_269 = tpu.memref_slice %arg6[%dma_wait3A_267, %dma_wait3A_268] : memref<5056x272xf32, #tpu.memory_space<vmem_shared>> -> memref<5056x272xf32, #tpu.memory_space<vmem_shared>>
        tpu.wait_indirect_dma semaphore(%run_scoped3A_263 : memref<!tpu.dma_semaphore, #tpu.memory_space<semaphore_mem>>) src(%arg12 : memref<16x272xf32, #tpu.memory_space<vmem>>) dst(%dma_wait3A_269 : memref<5056x272xf32, #tpu.memory_space<vmem_shared>>)
        tpu.yield
      }) : () -> ()
      %add3A_243 = arith.constant 4 : i32
      %add3A_244 = arith.addi %add3A_165, %add3A_243 : i32
      %mul3A_245 = arith.constant 16 : i32
      %mul3A_246 = arith.muli %add3A_244, %mul3A_245 : i32
      %dma_wait3A_247 = tpu.memref_slice %arg7[%mul3A_246] : memref<10336xi32, #tpu.memory_space<vmem>> -> memref<16xi32, #tpu.memory_space<vmem>>
      %dma_wait3A_248 = arith.constant 0 : i32
      %dma_wait3A_249 = arith.constant 0 : i32
      %dma_wait3A_250 = tpu.memref_slice %arg2[%dma_wait3A_248, %dma_wait3A_249] : memref<10008x272xf32, #tpu.memory_space<hbm>> -> memref<10008x272xf32, #tpu.memory_space<hbm>>
      tpu.wait_indirect_dma semaphore(%arg18 : memref<!tpu.dma_semaphore, #tpu.memory_space<semaphore_mem>>) src(%dma_wait3A_250 : memref<10008x272xf32, #tpu.memory_space<hbm>>) dst(%arg13 : memref<16x272xf32, #tpu.memory_space<vmem>>)
      %add3A_251 = arith.constant 5 : i32
      %add3A_252 = arith.addi %add3A_244, %add3A_251 : i32
      %sub3A_253 = arith.constant 1 : i32
      %sub3A_254 = arith.subi %add3A_252, %sub3A_253 : i32
      %lt3A_255 = arith.cmpi slt, %sub3A_254, %max3A_120 : i32
      %convert_element_type3A_256 = arith.extui %lt3A_255 : i1 to i32
      %cond3A_257 = arith.constant 0 : i32
      %cond3A_258 = arith.cmpi ne, %convert_element_type3A_256, %cond3A_257 : i32
      scf.if %cond3A_258 {
        %add3A_263 = arith.constant 5 : i32
        %add3A_264 = arith.addi %add3A_244, %add3A_263 : i32
        %sub3A_265 = arith.constant 1 : i32
        %sub3A_266 = arith.subi %add3A_264, %sub3A_265 : i32
        %mul3A_267 = arith.constant 16 : i32
        %mul3A_268 = arith.muli %sub3A_266, %mul3A_267 : i32
        %dma_start3A_269 = tpu.memref_slice %arg7[%mul3A_268] : memref<10336xi32, #tpu.memory_space<vmem>> -> memref<16xi32, #tpu.memory_space<vmem>>
        %dma_start3A_270 = arith.constant 0 : i32
        %dma_start3A_271 = arith.constant 0 : i32
        %dma_start3A_272 = tpu.memref_slice %arg2[%dma_start3A_270, %dma_start3A_271] : memref<10008x272xf32, #tpu.memory_space<hbm>> -> memref<10008x272xf32, #tpu.memory_space<hbm>>
        tpu.enqueue_indirect_dma source(%dma_start3A_272 : memref<10008x272xf32, #tpu.memory_space<hbm>>) target(%arg12 : memref<16x272xf32, #tpu.memory_space<vmem>>) offsets(%dma_start3A_269 : memref<16xi32, #tpu.memory_space<vmem>>) semaphore(%arg17 : memref<!tpu.dma_semaphore, #tpu.memory_space<semaphore_mem>>)
      } else {
      }
      %mul3A_259 = arith.constant 16 : i32
      %mul3A_260 = arith.muli %add3A_244, %mul3A_259 : i32
      %get3A_261 = arith.index_cast %mul3A_260 : i32 to index
      %get3A_262 = tpu.vector_load %arg8[%get3A_261] {strides = array<i32>} : memref<10336xi32, #tpu.memory_space<vmem>>, vector<16xi32>,
      "tpu.region"() ({
        %run_scoped3A_263 = tpu.sem_alloc : memref<!tpu.dma_semaphore, #tpu.memory_space<semaphore_mem>>
        %dma_start3A_264 = arith.constant 0 : i32
        %dma_start3A_265 = arith.constant 0 : i32
        %dma_start3A_266 = tpu.memref_slice %arg6[%dma_start3A_264, %dma_start3A_265] : memref<5056x272xf32, #tpu.memory_space<vmem_shared>> -> memref<5056x272xf32, #tpu.memory_space<vmem_shared>>
        tpu.enqueue_indirect_dma source(%arg13 : memref<16x272xf32, #tpu.memory_space<vmem>>) target(%dma_start3A_266 : memref<5056x272xf32, #tpu.memory_space<vmem_shared>>) offsets(%get3A_262 : vector<16xi32>) semaphore(%run_scoped3A_263 : memref<!tpu.dma_semaphore, #tpu.memory_space<semaphore_mem>>) {add = true}
        %dma_wait3A_267 = arith.constant 0 : i32
        %dma_wait3A_268 = arith.constant 0 : i32
        %dma_wait3A_269 = tpu.memref_slice %arg6[%dma_wait3A_267, %dma_wait3A_268] : memref<5056x272xf32, #tpu.memory_space<vmem_shared>> -> memref<5056x272xf32, #tpu.memory_space<vmem_shared>>
        tpu.wait_indirect_dma semaphore(%run_scoped3A_263 : memref<!tpu.dma_semaphore, #tpu.memory_space<semaphore_mem>>) src(%arg13 : memref<16x272xf32, #tpu.memory_space<vmem>>) dst(%dma_wait3A_269 : memref<5056x272xf32, #tpu.memory_space<vmem_shared>>)
        tpu.yield
      }) : () -> ()
    }
    %while3A_157 = arith.constant 1 : i32
    scf.for %while3A_163 = %while3A_155 to %while3A_151 step %while3A_157  : i32 {
      %mul3A_164 = arith.muli %while3A_163, %while3A : i32
      %add3A_165 = arith.addi %while3A_148, %mul3A_164 : i32
      %add3A_166 = arith.constant 0 : i32
      %add3A_167 = arith.addi %add3A_165, %add3A_166 : i32
      %mul3A_168 = arith.constant 16 : i32
      %mul3A_169 = arith.muli %add3A_167, %mul3A_168 : i32
      %dma_wait3A = tpu.memref_slice %arg7[%mul3A_169] : memref<10336xi32, #tpu.memory_space<vmem>> -> memref<16xi32, #tpu.memory_space<vmem>>
      %dma_wait3A_170 = arith.constant 0 : i32
      %dma_wait3A_171 = arith.constant 0 : i32
      %dma_wait3A_172 = tpu.memref_slice %arg2[%dma_wait3A_170, %dma_wait3A_171] : memref<10008x272xf32, #tpu.memory_space<hbm>> -> memref<10008x272xf32, #tpu.memory_space<hbm>>
      tpu.wait_indirect_dma semaphore(%arg14 : memref<!tpu.dma_semaphore, #tpu.memory_space<semaphore_mem>>) src(%dma_wait3A_172 : memref<10008x272xf32, #tpu.memory_space<hbm>>) dst(%arg9 : memref<16x272xf32, #tpu.memory_space<vmem>>)
      %add3A_173 = arith.constant 5 : i32
      %add3A_174 = arith.addi %add3A_167, %add3A_173 : i32
      %sub3A_175 = arith.constant 1 : i32
      %sub3A_176 = arith.subi %add3A_174, %sub3A_175 : i32
      %lt3A_177 = arith.cmpi slt, %sub3A_176, %max3A_120 : i32
      %convert_element_type3A = arith.extui %lt3A_177 : i1 to i32
      %cond3A = arith.constant 0 : i32
      %cond3A_178 = arith.cmpi ne, %convert_element_type3A, %cond3A : i32
      scf.if %cond3A_178 {
        %add3A_263 = arith.constant 5 : i32
        %add3A_264 = arith.addi %add3A_167, %add3A_263 : i32
        %sub3A_265 = arith.constant 1 : i32
        %sub3A_266 = arith.subi %add3A_264, %sub3A_265 : i32
        %mul3A_267 = arith.constant 16 : i32
        %mul3A_268 = arith.muli %sub3A_266, %mul3A_267 : i32
        %dma_start3A_269 = tpu.memref_slice %arg7[%mul3A_268] : memref<10336xi32, #tpu.memory_space<vmem>> -> memref<16xi32, #tpu.memory_space<vmem>>
        %dma_start3A_270 = arith.constant 0 : i32
        %dma_start3A_271 = arith.constant 0 : i32
        %dma_start3A_272 = tpu.memref_slice %arg2[%dma_start3A_270, %dma_start3A_271] : memref<10008x272xf32, #tpu.memory_space<hbm>> -> memref<10008x272xf32, #tpu.memory_space<hbm>>
        tpu.enqueue_indirect_dma source(%dma_start3A_272 : memref<10008x272xf32, #tpu.memory_space<hbm>>) target(%arg13 : memref<16x272xf32, #tpu.memory_space<vmem>>) offsets(%dma_start3A_269 : memref<16xi32, #tpu.memory_space<vmem>>) semaphore(%arg18 : memref<!tpu.dma_semaphore, #tpu.memory_space<semaphore_mem>>)
      } else {
      }
      %mul3A_179 = arith.constant 16 : i32
      %mul3A_180 = arith.muli %add3A_167, %mul3A_179 : i32
      %get3A_181 = arith.index_cast %mul3A_180 : i32 to index
      %get3A_182 = tpu.vector_load %arg8[%get3A_181] {strides = array<i32>} : memref<10336xi32, #tpu.memory_space<vmem>>, vector<16xi32>,
      "tpu.region"() ({
        %run_scoped3A_263 = tpu.sem_alloc : memref<!tpu.dma_semaphore, #tpu.memory_space<semaphore_mem>>
        %dma_start3A_264 = arith.constant 0 : i32
        %dma_start3A_265 = arith.constant 0 : i32
        %dma_start3A_266 = tpu.memref_slice %arg6[%dma_start3A_264, %dma_start3A_265] : memref<5056x272xf32, #tpu.memory_space<vmem_shared>> -> memref<5056x272xf32, #tpu.memory_space<vmem_shared>>
        tpu.enqueue_indirect_dma source(%arg9 : memref<16x272xf32, #tpu.memory_space<vmem>>) target(%dma_start3A_266 : memref<5056x272xf32, #tpu.memory_space<vmem_shared>>) offsets(%get3A_182 : vector<16xi32>) semaphore(%run_scoped3A_263 : memref<!tpu.dma_semaphore, #tpu.memory_space<semaphore_mem>>) {add = true}
        %dma_wait3A_267 = arith.constant 0 : i32
        %dma_wait3A_268 = arith.constant 0 : i32
        %dma_wait3A_269 = tpu.memref_slice %arg6[%dma_wait3A_267, %dma_wait3A_268] : memref<5056x272xf32, #tpu.memory_space<vmem_shared>> -> memref<5056x272xf32, #tpu.memory_space<vmem_shared>>
        tpu.wait_indirect_dma semaphore(%run_scoped3A_263 : memref<!tpu.dma_semaphore, #tpu.memory_space<semaphore_mem>>) src(%arg9 : memref<16x272xf32, #tpu.memory_space<vmem>>) dst(%dma_wait3A_269 : memref<5056x272xf32, #tpu.memory_space<vmem_shared>>)
        tpu.yield
      }) : () -> ()
      %add3A_183 = arith.constant 1 : i32
      %add3A_184 = arith.addi %add3A_165, %add3A_183 : i32
      %mul3A_185 = arith.constant 16 : i32
      %mul3A_186 = arith.muli %add3A_184, %mul3A_185 : i32
      %dma_wait3A_187 = tpu.memref_slice %arg7[%mul3A_186] : memref<10336xi32, #tpu.memory_space<vmem>> -> memref<16xi32, #tpu.memory_space<vmem>>
      %dma_wait3A_188 = arith.constant 0 : i32
      %dma_wait3A_189 = arith.constant 0 : i32
      %dma_wait3A_190 = tpu.memref_slice %arg2[%dma_wait3A_188, %dma_wait3A_189] : memref<10008x272xf32, #tpu.memory_space<hbm>> -> memref<10008x272xf32, #tpu.memory_space<hbm>>
      tpu.wait_indirect_dma semaphore(%arg15 : memref<!tpu.dma_semaphore, #tpu.memory_space<semaphore_mem>>) src(%dma_wait3A_190 : memref<10008x272xf32, #tpu.memory_space<hbm>>) dst(%arg10 : memref<16x272xf32, #tpu.memory_space<vmem>>)
      %add3A_191 = arith.constant 5 : i32
      %add3A_192 = arith.addi %add3A_184, %add3A_191 : i32
      %sub3A_193 = arith.constant 1 : i32
      %sub3A_194 = arith.subi %add3A_192, %sub3A_193 : i32
      %lt3A_195 = arith.cmpi slt, %sub3A_194, %max3A_120 : i32
      %convert_element_type3A_196 = arith.extui %lt3A_195 : i1 to i32
      %cond3A_197 = arith.constant 0 : i32
      %cond3A_198 = arith.cmpi ne, %convert_element_type3A_196, %cond3A_197 : i32
      scf.if %cond3A_198 {
        %add3A_263 = arith.constant 5 : i32
        %add3A_264 = arith.addi %add3A_184, %add3A_263 : i32
        %sub3A_265 = arith.constant 1 : i32
        %sub3A_266 = arith.subi %add3A_264, %sub3A_265 : i32
        %mul3A_267 = arith.constant 16 : i32
        %mul3A_268 = arith.muli %sub3A_266, %mul3A_267 : i32
        %dma_start3A_269 = tpu.memref_slice %arg7[%mul3A_268] : memref<10336xi32, #tpu.memory_space<vmem>> -> memref<16xi32, #tpu.memory_space<vmem>>
        %dma_start3A_270 = arith.constant 0 : i32
        %dma_start3A_271 = arith.constant 0 : i32
        %dma_start3A_272 = tpu.memref_slice %arg2[%dma_start3A_270, %dma_start3A_271] : memref<10008x272xf32, #tpu.memory_space<hbm>> -> memref<10008x272xf32, #tpu.memory_space<hbm>>
        tpu.enqueue_indirect_dma source(%dma_start3A_272 : memref<10008x272xf32, #tpu.memory_space<hbm>>) target(%arg9 : memref<16x272xf32, #tpu.memory_space<vmem>>) offsets(%dma_start3A_269 : memref<16xi32, #tpu.memory_space<vmem>>) semaphore(%arg14 : memref<!tpu.dma_semaphore, #tpu.memory_space<semaphore_mem>>)
      } else {
      }
      %mul3A_199 = arith.constant 16 : i32
      %mul3A_200 = arith.muli %add3A_184, %mul3A_199 : i32
      %get3A_201 = arith.index_cast %mul3A_200 : i32 to index
      %get3A_202 = tpu.vector_load %arg8[%get3A_201] {strides = array<i32>} : memref<10336xi32, #tpu.memory_space<vmem>>, vector<16xi32>,
      "tpu.region"() ({
        %run_scoped3A_263 = tpu.sem_alloc : memref<!tpu.dma_semaphore, #tpu.memory_space<semaphore_mem>>
        %dma_start3A_264 = arith.constant 0 : i32
        %dma_start3A_265 = arith.constant 0 : i32
        %dma_start3A_266 = tpu.memref_slice %arg6[%dma_start3A_264, %dma_start3A_265] : memref<5056x272xf32, #tpu.memory_space<vmem_shared>> -> memref<5056x272xf32, #tpu.memory_space<vmem_shared>>
        tpu.enqueue_indirect_dma source(%arg10 : memref<16x272xf32, #tpu.memory_space<vmem>>) target(%dma_start3A_266 : memref<5056x272xf32, #tpu.memory_space<vmem_shared>>) offsets(%get3A_202 : vector<16xi32>) semaphore(%run_scoped3A_263 : memref<!tpu.dma_semaphore, #tpu.memory_space<semaphore_mem>>) {add = true}
        %dma_wait3A_267 = arith.constant 0 : i32
        %dma_wait3A_268 = arith.constant 0 : i32
        %dma_wait3A_269 = tpu.memref_slice %arg6[%dma_wait3A_267, %dma_wait3A_268] : memref<5056x272xf32, #tpu.memory_space<vmem_shared>> -> memref<5056x272xf32, #tpu.memory_space<vmem_shared>>
        tpu.wait_indirect_dma semaphore(%run_scoped3A_263 : memref<!tpu.dma_semaphore, #tpu.memory_space<semaphore_mem>>) src(%arg10 : memref<16x272xf32, #tpu.memory_space<vmem>>) dst(%dma_wait3A_269 : memref<5056x272xf32, #tpu.memory_space<vmem_shared>>)
        tpu.yield
      }) : () -> ()
      %add3A_203 = arith.constant 2 : i32
      %add3A_204 = arith.addi %add3A_165, %add3A_203 : i32
      %mul3A_205 = arith.constant 16 : i32
      %mul3A_206 = arith.muli %add3A_204, %mul3A_205 : i32
      %dma_wait3A_207 = tpu.memref_slice %arg7[%mul3A_206] : memref<10336xi32, #tpu.memory_space<vmem>> -> memref<16xi32, #tpu.memory_space<vmem>>
      %dma_wait3A_208 = arith.constant 0 : i32
      %dma_wait3A_209 = arith.constant 0 : i32
      %dma_wait3A_210 = tpu.memref_slice %arg2[%dma_wait3A_208, %dma_wait3A_209] : memref<10008x272xf32, #tpu.memory_space<hbm>> -> memref<10008x272xf32, #tpu.memory_space<hbm>>
      tpu.wait_indirect_dma semaphore(%arg16 : memref<!tpu.dma_semaphore, #tpu.memory_space<semaphore_mem>>) src(%dma_wait3A_210 : memref<10008x272xf32, #tpu.memory_space<hbm>>) dst(%arg11 : memref<16x272xf32, #tpu.memory_space<vmem>>)
      %add3A_211 = arith.constant 5 : i32
      %add3A_212 = arith.addi %add3A_204, %add3A_211 : i32
      %sub3A_213 = arith.constant 1 : i32
      %sub3A_214 = arith.subi %add3A_212, %sub3A_213 : i32
      %lt3A_215 = arith.cmpi slt, %sub3A_214, %max3A_120 : i32
      %convert_element_type3A_216 = arith.extui %lt3A_215 : i1 to i32
      %cond3A_217 = arith.constant 0 : i32
      %cond3A_218 = arith.cmpi ne, %convert_element_type3A_216, %cond3A_217 : i32
      scf.if %cond3A_218 {
        %add3A_263 = arith.constant 5 : i32
        %add3A_264 = arith.addi %add3A_204, %add3A_263 : i32
        %sub3A_265 = arith.constant 1 : i32
        %sub3A_266 = arith.subi %add3A_264, %sub3A_265 : i32
        %mul3A_267 = arith.constant 16 : i32
        %mul3A_268 = arith.muli %sub3A_266, %mul3A_267 : i32
        %dma_start3A_269 = tpu.memref_slice %arg7[%mul3A_268] : memref<10336xi32, #tpu.memory_space<vmem>> -> memref<16xi32, #tpu.memory_space<vmem>>
        %dma_start3A_270 = arith.constant 0 : i32
        %dma_start3A_271 = arith.constant 0 : i32
        %dma_start3A_272 = tpu.memref_slice %arg2[%dma_start3A_270, %dma_start3A_271] : memref<10008x272xf32, #tpu.memory_space<hbm>> -> memref<10008x272xf32, #tpu.memory_space<hbm>>
        tpu.enqueue_indirect_dma source(%dma_start3A_272 : memref<10008x272xf32, #tpu.memory_space<hbm>>) target(%arg10 : memref<16x272xf32, #tpu.memory_space<vmem>>) offsets(%dma_start3A_269 : memref<16xi32, #tpu.memory_space<vmem>>) semaphore(%arg15 : memref<!tpu.dma_semaphore, #tpu.memory_space<semaphore_mem>>)
      } else {
      }
      %mul3A_219 = arith.constant 16 : i32
      %mul3A_220 = arith.muli %add3A_204, %mul3A_219 : i32
      %get3A_221 = arith.index_cast %mul3A_220 : i32 to index
      %get3A_222 = tpu.vector_load %arg8[%get3A_221] {strides = array<i32>} : memref<10336xi32, #tpu.memory_space<vmem>>, vector<16xi32>,
      "tpu.region"() ({
        %run_scoped3A_263 = tpu.sem_alloc : memref<!tpu.dma_semaphore, #tpu.memory_space<semaphore_mem>>
        %dma_start3A_264 = arith.constant 0 : i32
        %dma_start3A_265 = arith.constant 0 : i32
        %dma_start3A_266 = tpu.memref_slice %arg6[%dma_start3A_264, %dma_start3A_265] : memref<5056x272xf32, #tpu.memory_space<vmem_shared>> -> memref<5056x272xf32, #tpu.memory_space<vmem_shared>>
        tpu.enqueue_indirect_dma source(%arg11 : memref<16x272xf32, #tpu.memory_space<vmem>>) target(%dma_start3A_266 : memref<5056x272xf32, #tpu.memory_space<vmem_shared>>) offsets(%get3A_222 : vector<16xi32>) semaphore(%run_scoped3A_263 : memref<!tpu.dma_semaphore, #tpu.memory_space<semaphore_mem>>) {add = true}
        %dma_wait3A_267 = arith.constant 0 : i32
        %dma_wait3A_268 = arith.constant 0 : i32
        %dma_wait3A_269 = tpu.memref_slice %arg6[%dma_wait3A_267, %dma_wait3A_268] : memref<5056x272xf32, #tpu.memory_space<vmem_shared>> -> memref<5056x272xf32, #tpu.memory_space<vmem_shared>>
        tpu.wait_indirect_dma semaphore(%run_scoped3A_263 : memref<!tpu.dma_semaphore, #tpu.memory_space<semaphore_mem>>) src(%arg11 : memref<16x272xf32, #tpu.memory_space<vmem>>) dst(%dma_wait3A_269 : memref<5056x272xf32, #tpu.memory_space<vmem_shared>>)
        tpu.yield
      }) : () -> ()
      %add3A_223 = arith.constant 3 : i32
      %add3A_224 = arith.addi %add3A_165, %add3A_223 : i32
      %mul3A_225 = arith.constant 16 : i32
      %mul3A_226 = arith.muli %add3A_224, %mul3A_225 : i32
      %dma_wait3A_227 = tpu.memref_slice %arg7[%mul3A_226] : memref<10336xi32, #tpu.memory_space<vmem>> -> memref<16xi32, #tpu.memory_space<vmem>>
      %dma_wait3A_228 = arith.constant 0 : i32
      %dma_wait3A_229 = arith.constant 0 : i32
      %dma_wait3A_230 = tpu.memref_slice %arg2[%dma_wait3A_228, %dma_wait3A_229] : memref<10008x272xf32, #tpu.memory_space<hbm>> -> memref<10008x272xf32, #tpu.memory_space<hbm>>
      tpu.wait_indirect_dma semaphore(%arg17 : memref<!tpu.dma_semaphore, #tpu.memory_space<semaphore_mem>>) src(%dma_wait3A_230 : memref<10008x272xf32, #tpu.memory_space<hbm>>) dst(%arg12 : memref<16x272xf32, #tpu.memory_space<vmem>>)
      %add3A_231 = arith.constant 5 : i32
      %add3A_232 = arith.addi %add3A_224, %add3A_231 : i32
      %sub3A_233 = arith.constant 1 : i32
      %sub3A_234 = arith.subi %add3A_232, %sub3A_233 : i32
      %lt3A_235 = arith.cmpi slt, %sub3A_234, %max3A_120 : i32
      %convert_element_type3A_236 = arith.extui %lt3A_235 : i1 to i32
      %cond3A_237 = arith.constant 0 : i32
      %cond3A_238 = arith.cmpi ne, %convert_element_type3A_236, %cond3A_237 : i32
      scf.if %cond3A_238 {
        %add3A_263 = arith.constant 5 : i32
        %add3A_264 = arith.addi %add3A_224, %add3A_263 : i32
        %sub3A_265 = arith.constant 1 : i32
        %sub3A_266 = arith.subi %add3A_264, %sub3A_265 : i32
        %mul3A_267 = arith.constant 16 : i32
        %mul3A_268 = arith.muli %sub3A_266, %mul3A_267 : i32
        %dma_start3A_269 = tpu.memref_slice %arg7[%mul3A_268] : memref<10336xi32, #tpu.memory_space<vmem>> -> memref<16xi32, #tpu.memory_space<vmem>>
        %dma_start3A_270 = arith.constant 0 : i32
        %dma_start3A_271 = arith.constant 0 : i32
        %dma_start3A_272 = tpu.memref_slice %arg2[%dma_start3A_270, %dma_start3A_271] : memref<10008x272xf32, #tpu.memory_space<hbm>> -> memref<10008x272xf32, #tpu.memory_space<hbm>>
        tpu.enqueue_indirect_dma source(%dma_start3A_272 : memref<10008x272xf32, #tpu.memory_space<hbm>>) target(%arg11 : memref<16x272xf32, #tpu.memory_space<vmem>>) offsets(%dma_start3A_269 : memref<16xi32, #tpu.memory_space<vmem>>) semaphore(%arg16 : memref<!tpu.dma_semaphore, #tpu.memory_space<semaphore_mem>>)
      } else {
      }
      %mul3A_239 = arith.constant 16 : i32
      %mul3A_240 = arith.muli %add3A_224, %mul3A_239 : i32
      %get3A_241 = arith.index_cast %mul3A_240 : i32 to index
      %get3A_242 = tpu.vector_load %arg8[%get3A_241] {strides = array<i32>} : memref<10336xi32, #tpu.memory_space<vmem>>, vector<16xi32>,
      "tpu.region"() ({
        %run_scoped3A_263 = tpu.sem_alloc : memref<!tpu.dma_semaphore, #tpu.memory_space<semaphore_mem>>
        %dma_start3A_264 = arith.constant 0 : i32
        %dma_start3A_265 = arith.constant 0 : i32
        %dma_start3A_266 = tpu.memref_slice %arg6[%dma_start3A_264, %dma_start3A_265] : memref<5056x272xf32, #tpu.memory_space<vmem_shared>> -> memref<5056x272xf32, #tpu.memory_space<vmem_shared>>
        tpu.enqueue_indirect_dma source(%arg12 : memref<16x272xf32, #tpu.memory_space<vmem>>) target(%dma_start3A_266 : memref<5056x272xf32, #tpu.memory_space<vmem_shared>>) offsets(%get3A_242 : vector<16xi32>) semaphore(%run_scoped3A_263 : memref<!tpu.dma_semaphore, #tpu.memory_space<semaphore_mem>>) {add = true}
        %dma_wait3A_267 = arith.constant 0 : i32
        %dma_wait3A_268 = arith.constant 0 : i32
        %dma_wait3A_269 = tpu.memref_slice %arg6[%dma_wait3A_267, %dma_wait3A_268] : memref<5056x272xf32, #tpu.memory_space<vmem_shared>> -> memref<5056x272xf32, #tpu.memory_space<vmem_shared>>
        tpu.wait_indirect_dma semaphore(%run_scoped3A_263 : memref<!tpu.dma_semaphore, #tpu.memory_space<semaphore_mem>>) src(%arg12 : memref<16x272xf32, #tpu.memory_space<vmem>>) dst(%dma_wait3A_269 : memref<5056x272xf32, #tpu.memory_space<vmem_shared>>)
        tpu.yield
      }) : () -> ()
      %add3A_243 = arith.constant 4 : i32
      %add3A_244 = arith.addi %add3A_165, %add3A_243 : i32
      %mul3A_245 = arith.constant 16 : i32
      %mul3A_246 = arith.muli %add3A_244, %mul3A_245 : i32
      %dma_wait3A_247 = tpu.memref_slice %arg7[%mul3A_246] : memref<10336xi32, #tpu.memory_space<vmem>> -> memref<16xi32, #tpu.memory_space<vmem>>
      %dma_wait3A_248 = arith.constant 0 : i32
      %dma_wait3A_249 = arith.constant 0 : i32
      %dma_wait3A_250 = tpu.memref_slice %arg2[%dma_wait3A_248, %dma_wait3A_249] : memref<10008x272xf32, #tpu.memory_space<hbm>> -> memref<10008x272xf32, #tpu.memory_space<hbm>>
      tpu.wait_indirect_dma semaphore(%arg18 : memref<!tpu.dma_semaphore, #tpu.memory_space<semaphore_mem>>) src(%dma_wait3A_250 : memref<10008x272xf32, #tpu.memory_space<hbm>>) dst(%arg13 : memref<16x272xf32, #tpu.memory_space<vmem>>)
      %add3A_251 = arith.constant 5 : i32
      %add3A_252 = arith.addi %add3A_244, %add3A_251 : i32
      %sub3A_253 = arith.constant 1 : i32
      %sub3A_254 = arith.subi %add3A_252, %sub3A_253 : i32
      %lt3A_255 = arith.cmpi slt, %sub3A_254, %max3A_120 : i32
      %convert_element_type3A_256 = arith.extui %lt3A_255 : i1 to i32
      %cond3A_257 = arith.constant 0 : i32
      %cond3A_258 = arith.cmpi ne, %convert_element_type3A_256, %cond3A_257 : i32
      scf.if %cond3A_258 {
        %add3A_263 = arith.constant 5 : i32
        %add3A_264 = arith.addi %add3A_244, %add3A_263 : i32
        %sub3A_265 = arith.constant 1 : i32
        %sub3A_266 = arith.subi %add3A_264, %sub3A_265 : i32
        %mul3A_267 = arith.constant 16 : i32
        %mul3A_268 = arith.muli %sub3A_266, %mul3A_267 : i32
        %dma_start3A_269 = tpu.memref_slice %arg7[%mul3A_268] : memref<10336xi32, #tpu.memory_space<vmem>> -> memref<16xi32, #tpu.memory_space<vmem>>
        %dma_start3A_270 = arith.constant 0 : i32
        %dma_start3A_271 = arith.constant 0 : i32
        %dma_start3A_272 = tpu.memref_slice %arg2[%dma_start3A_270, %dma_start3A_271] : memref<10008x272xf32, #tpu.memory_space<hbm>> -> memref<10008x272xf32, #tpu.memory_space<hbm>>
        tpu.enqueue_indirect_dma source(%dma_start3A_272 : memref<10008x272xf32, #tpu.memory_space<hbm>>) target(%arg12 : memref<16x272xf32, #tpu.memory_space<vmem>>) offsets(%dma_start3A_269 : memref<16xi32, #tpu.memory_space<vmem>>) semaphore(%arg17 : memref<!tpu.dma_semaphore, #tpu.memory_space<semaphore_mem>>)
      } else {
      }
      %mul3A_259 = arith.constant 16 : i32
      %mul3A_260 = arith.muli %add3A_244, %mul3A_259 : i32
      %get3A_261 = arith.index_cast %mul3A_260 : i32 to index
      %get3A_262 = tpu.vector_load %arg8[%get3A_261] {strides = array<i32>} : memref<10336xi32, #tpu.memory_space<vmem>>, vector<16xi32>,
      "tpu.region"() ({
        %run_scoped3A_263 = tpu.sem_alloc : memref<!tpu.dma_semaphore, #tpu.memory_space<semaphore_mem>>
        %dma_start3A_264 = arith.constant 0 : i32
        %dma_start3A_265 = arith.constant 0 : i32
        %dma_start3A_266 = tpu.memref_slice %arg6[%dma_start3A_264, %dma_start3A_265] : memref<5056x272xf32, #tpu.memory_space<vmem_shared>> -> memref<5056x272xf32, #tpu.memory_space<vmem_shared>>
        tpu.enqueue_indirect_dma source(%arg13 : memref<16x272xf32, #tpu.memory_space<vmem>>) target(%dma_start3A_266 : memref<5056x272xf32, #tpu.memory_space<vmem_shared>>) offsets(%get3A_262 : vector<16xi32>) semaphore(%run_scoped3A_263 : memref<!tpu.dma_semaphore, #tpu.memory_space<semaphore_mem>>) {add = true}
        %dma_wait3A_267 = arith.constant 0 : i32
        %dma_wait3A_268 = arith.constant 0 : i32
        %dma_wait3A_269 = tpu.memref_slice %arg6[%dma_wait3A_267, %dma_wait3A_268] : memref<5056x272xf32, #tpu.memory_space<vmem_shared>> -> memref<5056x272xf32, #tpu.memory_space<vmem_shared>>
        tpu.wait_indirect_dma semaphore(%run_scoped3A_263 : memref<!tpu.dma_semaphore, #tpu.memory_space<semaphore_mem>>) src(%arg13 : memref<16x272xf32, #tpu.memory_space<vmem>>) dst(%dma_wait3A_269 : memref<5056x272xf32, #tpu.memory_space<vmem_shared>>)
        tpu.yield
      }) : () -> ()
    }
    %barrier3A_158 = arith.constant 0 : index
    tpu.barrier barrier_id(%barrier3A_158)
    %mul3A_159 = arith.constant 316 : i32
    %mul3A_160 = arith.muli %arg1, %mul3A_159 : i32
    %mul3A_161 = arith.constant 316 : i32
    %mul3A_162 = arith.muli %arg1, %mul3A_161 : i32
    "tpu.region"() ({
      %run_scoped3A_163 = tpu.sem_alloc : memref<!tpu.dma_semaphore, #tpu.memory_space<semaphore_mem>>
      %dma_start3A_164 = arith.constant 0 : i32
      %dma_start3A_165 = tpu.memref_slice %arg5[%arg0, %mul3A_162, %dma_start3A_164] : memref<2x5056x272xf32, #tpu.memory_space<hbm>> -> memref<1x316x272xf32, #tpu.memory_space<hbm>>
      %dma_start3A_166 = tpu.memref_squeeze %dma_start3A_165 : memref<1x316x272xf32, #tpu.memory_space<hbm>> -> memref<316x272xf32, #tpu.memory_space<hbm>>
      %dma_start3A_167 = arith.constant 0 : i32
      %dma_start3A_168 = tpu.memref_slice %arg6[%mul3A_160, %dma_start3A_167] : memref<5056x272xf32, #tpu.memory_space<vmem_shared>> -> memref<316x272xf32, #tpu.memory_space<vmem_shared>>
      tpu.enqueue_dma source(%dma_start3A_168 : memref<316x272xf32, #tpu.memory_space<vmem_shared>>) target(%dma_start3A_166 : memref<316x272xf32, #tpu.memory_space<hbm>>) target_semaphore(%run_scoped3A_163 : memref<!tpu.dma_semaphore, #tpu.memory_space<semaphore_mem>>)
      %dma_wait3A = arith.constant 0 : i32
      %dma_wait3A_169 = tpu.memref_slice %arg5[%arg0, %mul3A_162, %dma_wait3A] : memref<2x5056x272xf32, #tpu.memory_space<hbm>> -> memref<1x316x272xf32, #tpu.memory_space<hbm>>
      %dma_wait3A_170 = tpu.memref_squeeze %dma_wait3A_169 : memref<1x316x272xf32, #tpu.memory_space<hbm>> -> memref<316x272xf32, #tpu.memory_space<hbm>>
      %dma_wait3A_171 = arith.constant 0 : i32
      %dma_wait3A_172 = tpu.memref_slice %arg6[%mul3A_160, %dma_wait3A_171] : memref<5056x272xf32, #tpu.memory_space<vmem_shared>> -> memref<316x272xf32, #tpu.memory_space<vmem_shared>>
      tpu.wait_dma2 semaphore(%run_scoped3A_163 : memref<!tpu.dma_semaphore, #tpu.memory_space<semaphore_mem>>) src(%dma_wait3A_172 : memref<316x272xf32, #tpu.memory_space<vmem_shared>>) dst(%dma_wait3A_170 : memref<316x272xf32, #tpu.memory_space<hbm>>)
      tpu.yield
    }) : () -> ()
    return
  }
}

module attributes {stable_mosaic.version = 14 : i64} {
  func.func @_tc_body(%arg0: i32, %arg1: memref<1000x256xf32, #tpu.memory_space<vmem>>, %arg2: memref<1x1000x272xf32, #tpu.memory_space<vmem>>, %arg3: memref<256x256xf32, #tpu.memory_space<vmem>>, %arg4: memref<256x256xf32, #tpu.memory_space<vmem>>, %arg5: memref<1x256xf32, #tpu.memory_space<vmem>>, %arg6: memref<1000x256xf32, #tpu.memory_space<vmem>>) attributes {dimension_semantics = [#tpu.dimension_semantics<arbitrary>], iteration_bounds = array<i64: 10>, scalar_prefetch = 0 : i64, scratch_operands = 0 : i64, tpu.core_type = #tpu.core_type<tc>, window_params = [{transform_indices = @transform_0, window_bounds = array<i64: 1000, 256>}, {transform_indices = @transform_1, window_bounds = array<i64: 1, 1000, 272>}, {pipeline_mode = #tpu.pipeline_mode<synchronous>, transform_indices = @transform_2, window_bounds = array<i64: 256, 256>}, {pipeline_mode = #tpu.pipeline_mode<synchronous>, transform_indices = @transform_3, window_bounds = array<i64: 256, 256>}, {pipeline_mode = #tpu.pipeline_mode<synchronous>, transform_indices = @transform_4, window_bounds = array<i64: 1, 256>}, {transform_indices = @transform_5, window_bounds = array<i64: 1000, 256>}]} {
    %get3A = arith.constant 0 : index
    %get3A_0 = arith.constant 0 : index
    %get3A_1 = arith.constant 0 : index
    %get3A_2 = vector.load %arg2[%get3A, %get3A_0, %get3A_1] : memref<1x1000x272xf32, #tpu.memory_space<vmem>>, vector<1x1000x272xf32>
    %get3A_3 = vector.shape_cast %get3A_2 : vector<1x1000x272xf32> to vector<1000x272xf32>
    %slice3A = vector.extract_strided_slice %get3A_3 {offsets = [0, 256], sizes = [1000, 1], strides = [1, 1]} : vector<1000x272xf32> to vector<1000x1xf32>
    %max3A = arith.constant 1.000000e+00 : f32
    %max3A_4 = vector.broadcast %max3A : f32 to vector<1000x1xf32>
    %max3A_5 = arith.maximumf %slice3A, %max3A_4 : vector<1000x1xf32>
    %div3A = arith.constant 1.000000e+00 : f32
    %div3A_6 = vector.broadcast %div3A : f32 to vector<1000x1xf32>
    %div3A_7 = arith.divf %div3A_6, %max3A_5 : vector<1000x1xf32>
    %slice3A_8 = vector.extract_strided_slice %get3A_3 {offsets = [0, 0], sizes = [1000, 256], strides = [1, 1]} : vector<1000x272xf32> to vector<1000x256xf32>
    %mul3A = vector.broadcast %div3A_7 : vector<1000x1xf32> to vector<1000x256xf32>
    %mul3A_9 = arith.mulf %slice3A_8, %mul3A : vector<1000x256xf32>
    %get3A_10 = arith.constant 0 : index
    %get3A_11 = arith.constant 0 : index
    %get3A_12 = vector.load %arg3[%get3A_10, %get3A_11] : memref<256x256xf32, #tpu.memory_space<vmem>>, vector<256x256xf32>
    %dot_general3A = arith.constant dense<0.000000e+00> : vector<1000x256xf32>
    %dot_general3A_13 = tpu.matmul %mul3A_9, %get3A_12, %dot_general3A {dimension_numbers = #tpu.dot_dimension_numbers<[1], [0], [0], [1], [0, 0, 1, 1], [], []>, transpose_lhs_hint = false} : vector<1000x256xf32>, vector<256x256xf32>, vector<1000x256xf32> -> vector<1000x256xf32>
    %get3A_14 = arith.constant 0 : index
    %get3A_15 = arith.constant 0 : index
    %get3A_16 = vector.load %arg1[%get3A_14, %get3A_15] : memref<1000x256xf32, #tpu.memory_space<vmem>>, vector<1000x256xf32>
    %get3A_17 = arith.constant 0 : index
    %get3A_18 = arith.constant 0 : index
    %get3A_19 = vector.load %arg4[%get3A_17, %get3A_18] : memref<256x256xf32, #tpu.memory_space<vmem>>, vector<256x256xf32>
    %dot_general3A_20 = arith.constant dense<0.000000e+00> : vector<1000x256xf32>
    %dot_general3A_21 = tpu.matmul %get3A_16, %get3A_19, %dot_general3A_20 {dimension_numbers = #tpu.dot_dimension_numbers<[1], [0], [0], [1], [0, 0, 1, 1], [], []>, transpose_lhs_hint = false} : vector<1000x256xf32>, vector<256x256xf32>, vector<1000x256xf32> -> vector<1000x256xf32>
    %add3A = arith.addf %dot_general3A_13, %dot_general3A_21 : vector<1000x256xf32>
    %get3A_22 = arith.constant 0 : index
    %get3A_23 = arith.constant 0 : index
    %get3A_24 = vector.load %arg5[%get3A_22, %get3A_23] : memref<1x256xf32, #tpu.memory_space<vmem>>, vector<1x256xf32>
    %add3A_25 = vector.broadcast %get3A_24 : vector<1x256xf32> to vector<1000x256xf32>
    %add3A_26 = arith.addf %add3A, %add3A_25 : vector<1000x256xf32>
    %swap3A = arith.constant 0 : index
    %swap3A_27 = arith.constant 0 : index
    %swap3A_28 = vector.load %arg6[%swap3A, %swap3A_27] : memref<1000x256xf32, #tpu.memory_space<vmem>>, vector<1000x256xf32>
    tpu.vector_store %arg6[%swap3A, %swap3A_27], %add3A_26 {strides = array<i32>} : memref<1000x256xf32, #tpu.memory_space<vmem>>, vector<1000x256xf32>,
    return
  }
  func.func @transform_0(%arg0: i32) -> (i32, i32) {
    %c0_i32 = arith.constant 0 : i32
    %c0_i32_0 = arith.constant 0 : i32
    return %arg0, %c0_i32 : i32, i32
  }
  func.func @transform_1(%arg0: i32) -> (i32, i32, i32) {
    %jit3A = arith.constant 5 : i32
    %div3A = arith.divsi %arg0, %jit3A : i32
    %sign3A = arith.constant 0 : i32
    %sign3A_0 = arith.cmpi sgt, %arg0, %sign3A : i32
    %sign3A_1 = arith.extui %sign3A_0 : i1 to i32
    %sign3A_2 = arith.constant 0 : i32
    %sign3A_3 = arith.cmpi slt, %arg0, %sign3A_2 : i32
    %sign3A_4 = arith.extui %sign3A_3 : i1 to i32
    %sign3A_5 = arith.subi %sign3A_1, %sign3A_4 : i32
    %sign3A_6 = arith.constant 0 : i32
    %sign3A_7 = arith.cmpi sgt, %jit3A, %sign3A_6 : i32
    %sign3A_8 = arith.extui %sign3A_7 : i1 to i32
    %sign3A_9 = arith.constant 0 : i32
    %sign3A_10 = arith.cmpi slt, %jit3A, %sign3A_9 : i32
    %sign3A_11 = arith.extui %sign3A_10 : i1 to i32
    %sign3A_12 = arith.subi %sign3A_8, %sign3A_11 : i32
    %ne3A = arith.cmpi ne, %sign3A_5, %sign3A_12 : i32
    %rem3A = arith.remsi %arg0, %jit3A : i32
    %ne3A_13 = arith.constant 0 : i32
    %ne3A_14 = arith.cmpi ne, %rem3A, %ne3A_13 : i32
    %and3A = arith.andi %ne3A, %ne3A_14 : i1
    %sub3A = arith.constant 1 : i32
    %sub3A_15 = arith.subi %div3A, %sub3A : i32
    %select_n3A = arith.select %and3A, %sub3A_15, %div3A : i32
    %jit3A_16 = arith.constant 5 : i32
    %eq3A = arith.constant 0 : i32
    %eq3A_17 = arith.cmpi eq, %jit3A_16, %eq3A : i32
    %jit3A_18 = arith.constant 1 : i32
    %select_n3A_19 = arith.select %eq3A_17, %jit3A_18, %jit3A_16 : i32
    %rem3A_20 = arith.remsi %arg0, %select_n3A_19 : i32
    %ne3A_21 = arith.constant 0 : i32
    %ne3A_22 = arith.cmpi ne, %rem3A_20, %ne3A_21 : i32
    %lt3A = arith.constant 0 : i32
    %lt3A_23 = arith.cmpi slt, %rem3A_20, %lt3A : i32
    %lt3A_24 = arith.constant 0 : i32
    %lt3A_25 = arith.cmpi slt, %select_n3A_19, %lt3A_24 : i32
    %ne3A_26 = arith.xori %lt3A_23, %lt3A_25 : i1
    %and3A_27 = arith.andi %ne3A_26, %ne3A_22 : i1
    %add3A = arith.addi %rem3A_20, %select_n3A_19 : i32
    %select_n3A_28 = arith.select %and3A_27, %add3A, %rem3A_20 : i32
    %c0_i32 = arith.constant 0 : i32
    %c0_i32_29 = arith.constant 0 : i32
    return %select_n3A, %select_n3A_28, %c0_i32 : i32, i32, i32
  }
  func.func @transform_2(%arg0: i32) -> (i32, i32) {
    %c0_i32 = arith.constant 0 : i32
    %c0_i32_0 = arith.constant 0 : i32
    %c0_i32_1 = arith.constant 0 : i32
    return %c0_i32, %c0_i32_0 : i32, i32
  }
  func.func @transform_3(%arg0: i32) -> (i32, i32) {
    %c0_i32 = arith.constant 0 : i32
    %c0_i32_0 = arith.constant 0 : i32
    %c0_i32_1 = arith.constant 0 : i32
    return %c0_i32, %c0_i32_0 : i32, i32
  }
  func.func @transform_4(%arg0: i32) -> (i32, i32) {
    %c0_i32 = arith.constant 0 : i32
    %c0_i32_0 = arith.constant 0 : i32
    %c0_i32_1 = arith.constant 0 : i32
    return %c0_i32, %c0_i32_0 : i32, i32
  }
  func.func @transform_5(%arg0: i32) -> (i32, i32) {
    %c0_i32 = arith.constant 0 : i32
    %c0_i32_0 = arith.constant 0 : i32
    return %arg0, %c0_i32 : i32, i32
  }
}

</mosaic_0001>

<sc_bundles>
// kernel: kernel.4.cloned.1.call-start
scs
__scs_entry_jumppad:
0x0: {  	(pc) =	sbr.rel $0x88, $3  }
0x1: {  	(tag) =	ssettag $0x0;
	lr =	simm.s32 $0x1  }
0x2: {  	[smem:$0x3F9C] =	sst lr;
	_ =	strace $0xD0000000  }
0x3: {  	_ = 	snop  }
0x4: {  	_ = 	snop  }
0x5: {  	_ = 	snop  }
0x6: {  	_ = 	snop  }
0x7: {  	_ = 	snop  }
__scs_overlays_trampoline_lowered:
0x8: {  	[smem:$0x3FAB] =	sst s0  }
0x9: {  	[smem:$0x3FAC] =	sst s1  }
0xa: {  	[smem:$0x3FAD] =	sst s2  }
0xb: {  	[smem:$0x3FAE] =	sst s3  }
0xc: {  	[smem:$0x3FAF] =	sst s4  }
0xd: {  	[smem:$0x3FB0] =	sst s5  }
0xe: {  	[smem:$0x3FB1] =	sst s6  }
0xf: {  	[smem:$0x3FB2] =	sst s7  }
0x10: {  	[smem:$0x3FB3] =	sst s8  }
0x11: {  	[smem:$0x3FB4] =	sst s9;
	s0 =	simm.s32 @!p0 $0x0  }
0x12: {  	s1 =	sld [smem:$0x3F9A];
	s0 =	simm.s32 @p0 $0x1  }
0x13: {  	[smem:$0x3FB5] =	sst s0;
	s0 =	simm.s32 @!p1 $0x0  }
0x14: {  	s2 =	sld [smem:$0x3F99];
	s0 =	simm.s32 @p1 $0x1  }
0x15: {  	[smem:$0x3FB6] =	sst s0;
	s0 =	simm.s32 @!p2 $0x0  }
0x16: {  	s3 =	sld [smem:$0x3FDB];
	s0 =	simm.s32 @p2 $0x1  }
0x17: {  	s4 =	simm.s32 $0x1BF5;
	[smem:$0x3FB8] =	sst s0  }
0x18: {  	s0 =	sld [smem:$0x3F9B];
	_ =	swait.ge [sflag:s4], $0x0  }
0x19: {  	s7 =	sld [smem:$0x3F9C]  }
0x1a: {  	s8 =	sadd.s32 $0xFFFFE003, lr  }
0x1b: {  	s9 =	sadd.s32 $0xFFFFFEF7, lr;
	s5 =	simm.s32 $0xFFFFFFFF;
	p2 =	slt.u32 s8, $0xFFFFF086  }
0x1c: {  	p1 =	slt.u32 s9, $0xF7A;
	s5 =	simm.s32 @!p2 $0x0  }
0x1d: {  	s5 =	simm.s32 @p1 $0x1;
	p0 =	seq.s32 s7, s2  }
0x1e: {  	s7 =	smul.u32 @!p0 $0xF7A, s2;
	p2 =	seq.s32 @!p0 s5, $0x0  }
0x1f: {  	s9 =	smul.u32 $0xF7A, s1;
	s8 =	simm.s32 @!p0 $0x1BF5;
	p2 =	por !p2, p0  }
0x20: {  	[sflag:s8] =	ssyncset.s32 @!p0 $0xFFFFF086;
	s6 =	sadd.s32 @!p0 s3, s7;
	s7 =	simm.s32 @!p0 $0x108  }
0x21: {  	s3 =	sadd.s32 s3, s9;
	s6 =	sadd.s32 @!p0 $0x88, s6;
	s7 =	simm.s32 @p2 $0x1082  }
0x22: {  	[simem:s7], [sflag:s8] =	dma.local @!p0 [hbm:s6], $0xF7A  }
0x23: {  	s9 =	sor.u32 $0xD0000000, s2;
	s6 =	simm.s32 $0x108;
	_ =	swait.ge @!p0 [sflag:s8], $0x0  }
0x24: {  	s3 =	sadd.s32 $0x88, s3;
	s6 =	simm.s32 @!p1 $0x1082;
	[sflag:s4] =	ssyncset.s32 $0xFFFFF086  }
0x25: {  	[simem:s6], [sflag:s4] =	dma.local [hbm:s3], $0xF7A  }
0x26: {  	[smem:$0x3F9C] =	sst s1;
	(tag) =	ssettag s2;
	_ =	strace s9  }
0x27: {  	s1 =	sld [smem:$0x3FAC]  }
0x28: {  	s2 =	sld [smem:$0x3FAD]  }
0x29: {  	s4 =	sld [smem:$0x3FAF]  }
0x2a: {  	p0 =	seq.s32 s5, $0x0;
	s5 =	sld [smem:$0x3FB0]  }
0x2b: {  	s6 =	sld [smem:$0x3FB1]  }
0x2c: {  	s7 =	sld [smem:$0x3FB2]  }
0x2d: {  	s3 =	simm.s32 $0x108;
	s8 =	sld [smem:$0x3FB3]  }
0x2e: {  	s3 =	simm.s32 @!p0 $0x1082;
	s9 =	sld [smem:$0x3FB4]  }
0x2f: {  	lr =	sadd.s32 s0, s3;
	s0 =	sld [smem:$0x3FAB]  }
0x30: {  	s3 =	sld [smem:$0x3FAE]  }
0x31: {  	[smem:$0x3FB7] =	sst s10  }
0x32: {  	s10 =	sld [smem:$0x3FB5];
	_ =	sdelay $0x3  }
0x33: {  	p0 =	seq.s32 s10, $0x1;
	s10 =	sld [smem:$0x3FB7];
	_ =	sdelay $0x3  }
0x34: {  	[smem:$0x3FB7] =	sst s10  }
0x35: {  	s10 =	sld [smem:$0x3FB6];
	_ =	sdelay $0x3  }
0x36: {  	p1 =	seq.s32 s10, $0x1;
	s10 =	sld [smem:$0x3FB7];
	_ =	sdelay $0x3  }
0x37: {  	[smem:$0x3FB7] =	sst s10  }
0x38: {  	s10 =	sld [smem:$0x3FB8]  }
0x39: {  	_ = 	snop;
	(pc) =	sbr.ind lr, $3  }
0x3a: {  	_ = 	snop  }
0x3b: {  	_ = 	snop  }
0x3c: {  	p2 =	seq.s32 s10, $0x1;
	s10 =	sld [smem:$0x3FB7]  }
0x3d: {  	_ =	shalt  }
0x3e: {  	_ =	shalt  }
0x3f: {  	_ =	shalt  }
0x40: {  	_ =	shalt  }
0x41: {  	_ =	shalt  }
0x42: {  	_ =	shalt  }
0x43: {  	_ =	shalt  }
0x44: {  	_ =	shalt  }
0x45: {  	_ =	shalt  }
0x46: {  	_ =	shalt  }
0x47: {  	_ =	shalt  }
0x48: {  	_ =	shalt  }
0x49: {  	_ =	shalt  }
0x4a: {  	_ =	shalt  }
0x4b: {  	_ =	shalt  }
0x4c: {  	_ =	shalt  }
0x4d: {  	_ =	shalt  }
0x4e: {  	_ =	shalt  }
0x4f: {  	_ =	shalt  }
0x50: {  	_ =	shalt  }
0x51: {  	_ =	shalt  }
0x52: {  	_ =	shalt  }
0x53: {  	_ =	shalt  }
0x54: {  	_ =	shalt  }
0x55: {  	_ =	shalt  }
0x56: {  	_ =	shalt  }
0x57: {  	_ =	shalt  }
0x58: {  	_ =	shalt  }
0x59: {  	_ =	shalt  }
0x5a: {  	_ =	shalt  }
0x5b: {  	_ =	shalt  }
0x5c: {  	_ =	shalt  }
0x5d: {  	_ =	shalt  }
0x5e: {  	_ =	shalt  }
0x5f: {  	_ =	shalt  }
0x60: {  	_ =	shalt  }
0x61: {  	_ =	shalt  }
0x62: {  	_ =	shalt  }
0x63: {  	_ =	shalt  }
0x64: {  	_ =	shalt  }
0x65: {  	_ =	shalt  }
0x66: {  	_ =	shalt  }
0x67: {  	_ =	shalt  }
0x68: {  	_ =	shalt  }
0x69: {  	_ =	shalt  }
0x6a: {  	_ =	shalt  }
0x6b: {  	_ =	shalt  }
0x6c: {  	_ =	shalt  }
0x6d: {  	_ =	shalt  }
0x6e: {  	_ =	shalt  }
0x6f: {  	_ =	shalt  }
0x70: {  	_ =	shalt  }
0x71: {  	_ =	shalt  }
0x72: {  	_ =	shalt  }
0x73: {  	_ =	shalt  }
0x74: {  	_ =	shalt  }
0x75: {  	_ =	shalt  }
0x76: {  	_ =	shalt  }
0x77: {  	_ =	shalt  }
0x78: {  	_ =	shalt  }
0x79: {  	_ =	shalt  }
0x7a: {  	_ =	shalt  }
0x7b: {  	_ =	shalt  }
0x7c: {  	_ =	shalt  }
0x7d: {  	_ =	shalt  }
0x7e: {  	_ =	shalt  }
0x7f: {  	_ =	shalt  }
0x80: {  	_ =	shalt  }
0x81: {  	_ =	shalt  }
0x82: {  	_ =	shalt  }
0x83: {  	_ =	shalt  }
0x84: {  	_ =	shalt  }
0x85: {  	_ =	shalt  }
0x86: {  	_ =	shalt  }
0x87: {  	_ =	shalt  }
.Lfunc_end0:
.L_simem_size_0:
called_computation_lowered:
.L_overlay_start_0:
0x88: {  	s2 =	sld [smem:$0x3FD9]  }
0x89: {  	s3 =	sld [smem:$0x3FFE];
	_ =	sdelay $0x1  }
0x8a: {  	s1 =	srdreg.scid  }
0x8b: {  	s0 =	sand.u32 $0x1, s1  }
0x8c: {  	s17 =	sshll.u32 s0, $0xA;
	s2 =	sadd.s32 s3, s2  }
0x8d: {  	s2 =	sadd.s32 s2, s17  }
0x8e: {  	[smem:$0x3FC3] =	sst s2  }
0x8f: {  	_ = 	snop  }
0x90: {  	s2 =	sld [smem:$0x3FD0];
	(tm) =	ssettm $0x1  }
0x91: {  	s18 =	sld [smem:$0x3FFB];
	_ =	sdelay $0x3  }
0x92: {  	_ =	strace s18  }
0x93: {  	s3 =	sld [smem:$0x3FFC];
	_ =	sdelay $0x3  }
0x94: {  	_ =	strace s3  }
0x95: {  	s3 =	sld [smem:$0x3FFD];
	_ =	sdelay $0x3  }
0x96: {  	_ =	strace s3  }
0x97: {  	_ =	strace $0x8FFFFFFF  }
0x98: {  	s19 =	sld [smem:$0x3FDB];
	_ =	sdelay $0x1  }
0x99: {  	s4 =	simm.s32 $_scs_section_size  }
0x9a: {  	s5 =	simm.s32 $_size__tile_overlayer_lowered;
	s6 =	simm.s32 $_tile_overlayer_lowered  }
0x9b: {  	s22 =	simm.s32 $0x1BFF;
	s21 =	sshll.u32 s6, $0x1;
	s3 =	sadd.s32 s4, s19  }
0x9c: {  	s7 =	simm.s32 $0x0;
	s20 =	sshll.u32 s5, $0x1;
	s5 =	sadd.s32 s21, s3  }
0x9d: {  	[timem:s7], [sflag:s22] =	dma.local [hbm:s5], s20  }
0x9e: {  	_ =	swait.ge [sflag:s22], s20  }
0x9f: {  	s4 =	ssub.s32 $0x0, s20;
	[sflag:s22] =	ssyncset.done $0x0  }
0xa0: {  	[sflag:s22] =	ssyncadd.s32 s4;
	_ =	sdelay $0x1  }
0xa1: {  	s23 =	simm.s32 $0x1B8B  }
0xa2: {  	_ =	swait.ge [sflag:s23], $0x1  }
0xa3: {  	[sflag:s23] =	ssyncset.done $0x0  }
0xa4: {  	s25 =	simm.s32 $0x1B8E;
	s24 =	sld [smem:$0x3FFE];
	[sflag:s23] =	ssyncadd.s32 $0xFFFFFFFF  }
0xa5: {  	s26 =	simm.s32 $execute0_lowered;
	[smem:$0x3FD2] =	sst s25  }
0xa6: {  	s5 =	sshll.u32 s26, $0x1;
	_ =	strace $0x80000046;
	[dreg:$0x1] =	wrdreg $0xFFFFFFFF  }
0xa7: {  	s28 =	simm.s32 $_size_execute0_lowered;
	s3 =	sadd.s32 s3, s5;
	[dreg:$0x0] =	wrdreg $0x0  }
0xa8: {  	s5 =	sshll.u32 s28, $0x1;
	[dreg:$0x2] =	wrdreg s3  }
0xa9: {  	[dreg:$0x3] =	wrdreg s5  }
0xaa: {  	[dreg:$0x4] =	wrdreg $0xC0  }
0xab: {  	_ =	task [dreg:s7], $0x5FFFF  }
0xac: {  	[dreg:$0x1] =	wrdreg $0xFFFFFFFF  }
0xad: {  	[dreg:$0x0] =	wrdreg $0x60  }
0xae: {  	[dreg:$0x2] =	wrdreg s24  }
0xaf: {  	[dreg:$0x3] =	wrdreg s2  }
0xb0: {  	[dreg:$0x4] =	wrdreg $0x0  }
0xb1: {  	[dreg:$0x5] =	wrdreg $0x9  }
0xb2: {  	_ =	task.clear_ibuf [dreg:s7], $0x6FFFF;
	_ =	strace $0x90000046  }
0xb3: {  	s29 =	simm.s32 $0x9;
	_ =	strace $0x80000048  }
0xb4: {  	_ =	swait.ge [sflag:s29], $0x1  }
0xb5: {  	[sflag:s29] =	ssyncadd.s32 $0xFFFFFFFF  }
0xb6: {  	_ =	strace $0x90000048  }
0xb7: {  	_ =	sfence  }
0xb8: {  	s30 =	sld [smem:$0x0];
	_ =	sdelay $0x2  }
0xb9: {  	s31 =	sshll.u32 s1, $0xD;
	s1 =	sshrl.u32 s1, $0x2  }
0xba: {  	s3 =	sand.u32 $0x4000, s31;
	s1 =	sadd.s32 s1, s30  }
0xbb: {  	s0 =	sor.u32 s3, s0;
	s1 =	sshll.u32 s1, $0x11  }
0xbc: {  	s0 =	sor.u32 s1, s0  }
0xbd: {  	s0 =	sadd.s32 $0x8F2B, s0  }
0xbe: {  	[sflag:s0] =	ssyncadd.remote.s32 $0x1  }
0xbf: {  	_ =	sfence.sel $0xFFFF  }
0xc0: {  	[dreg:$0x0] =	wrdreg $0xFFFFFFFF;
	(pc) =	sbr.abs _section_cstart, $3  }
0xc1: {  	[dreg:$0x1] =	wrdreg $0xFFFFFFFF  }
0xc2: {  	_ =	task.clear_ibuf [dreg:s7], $0x2FFFF;
	_ =	strace $0x9FFFFFFF  }
0xc3: {  	(tm) =	ssettm $0x7FFFFFFF  }
tec
execute0_lowered:
.L_overlay_start_1:
0x0: {  	(tag) =	ssettag $0x1  }
0x1: {  	s0 =	rddreg [dreg:$0x0]  }
0x2: {  	s1 =	rddreg [dreg:$0x1]  }
0x3: {  	s2 =	rddreg [dreg:$0x2]  }
0x4: {  	s4 =	srdreg.scid;
	s12 =	stileid.u32  }
0x5: {  	s3 =	simm.s32 $0x0;
	s13 =	simm.s32 $0x14FC0;
	s15 =	simm.s32 $0x1  }
0x6: {  	s16 =	simm.s32 $0x10;
	s17 =	simm.s32 $0x1A080;
	s19 =	simm.s32 $0x1B180  }
0x7: {  	s21 =	simm.s32 $0x1C280;
	s31 =	simm.s32 $0x1E480;
	s28 =	simm.s32 $0x5  }
0x8: {  	s29 =	simm.s32 $0x0;
	s6 =	sand.u32 $0x1, s4;
	s7 =	smul.u32 $0x14FC0, s12  }
0x9: {  	[smem:$0x7FF] =	sst s3;
	s4 =	sadd.s32 $0x1800, s0;
	s11 =	smul.u32 $0x2800, s12  }
0xa: {  	s23 =	sadd.s32 $0x54A00, s0;
	s24 =	sshll.u32 s12, $0x6;
	s12 =	simm.s32 $0x6  }
0xb: {  	s5 =	smul.u32 $0x14FC00, s6;
	_ =	strace $0x80000047;
	s8 =	ssub.s32 $0x2, s6  }
0xc: {  	[dreg:$0x6] =	wrdreg s23;
	s14 =	smul.u32 $0x1388, s6;
	s6 =	sor.u32 $0x1C06, s24  }
0xd: {  	s23 =	simm.s32 $0x1D380;
	s24 =	simm.s32 $0x2;
	[dreg:$0x4] =	wrdreg s31  }
0xe: {  	s10 =	sshrl.u32 s8, $0x1;
	s25 =	sshrl.u32 s11, $0x3;
	s26 =	sadd.s32 s7, s2  }
0xf: {  	s5 =	sadd.s32 s7, s5;
	s10 =	ssub.s32 s8, s10;
	s7 =	sadd.s32 s1, s25  }
0x10: {  	s30 =	sadd.s32 $0x1388, s14;
	s11 =	sshrl.u32 s26, $0x3;
	s9 =	sshrl.u32 s5, $0x3  }
0x11: {  	v2 =	vlaneseq.u32;
	v3 =	vimm.s32 $0x2710;
	v4 =	vimm.s32 $0x1388;
	s25 =	simm.s32 $0x3;
	s26 =	simm.s32 $0x4;
	s0 =	sadd.s32 s9, s0  }
0x12: {  	vm0 =	vmmov $0xffff;
	v0 =	vmov s14;
	s8 =	sadd.s32 $0x5000, s7;
	s10 =	smax.u32 s10, $0x1;
	v1 =	vmov s30;
	s9 =	sadd.s32 $0x57400, s0  }
.LBB2_1:
0x13: {  	s0 =	rddreg [dreg:$0x6]  }
0x14: {  	[spmem:s11], [sflag:s6] =	dma.local [hbm:s0], $0x29F8  }
0x15: {  	_ =	swait.ge [sflag:s12], $0x29F8  }
0x16: {  	[sflag:s12] =	ssyncset.done $0x0  }
0x17: {  	[sflag:s12] =	ssyncadd.s32 $0xFFFFD608  }
0x18: {  	[tilespmem:s13], [sflag:$0x6] =	stream.linear.gather [hbm4b:s7+s3], $0x2800, $0x38;
	[tilespmem:$0x1F580] =	vst v63  }
0x19: {  	_ =	swait.ge [sflag:s12], $0x2800  }
0x1a: {  	[sflag:s12] =	ssyncset.done $0x0  }
0x1b: {  	s30 =	simm.s32 $0x17820;
	[sflag:s12] =	ssyncadd.s32 $0xFFFFD800  }
0x1c: {  	[tilespmem:s30], [sflag:$0x6] =	stream.linear.gather [hbm4b:s8+s3], $0x2800, $0x38;
	[tilespmem:$0x1F580] =	vst v63  }
0x1d: {  	_ =	swait.ge [sflag:s12], $0x2800  }
0x1e: {  	[sflag:s12] =	ssyncset.done $0x0  }
0x1f: {  	s31 =	simm.s32 $0x0;
	[sflag:s12] =	ssyncadd.s32 $0xFFFFD800  }
0x20: {  	v5 =	vld [tilespmem:s31+$0x17820];
	_ =	sdelay $0x4  }
0x21: {  	vm1 =	vge.s32 v5, v0;
	vm2 =	vlt.s32 v5, v1  }
0x22: {  	vm1 =	vmand vm1, vm2  }
0x23: {  	v7 =	vmpcnt.ones.xlane vm1;
	_ =	sdelay $0x1  }
0x24: {  	(v2sf) =	vpush v7, $0x0  }
0x25: {  	v6 =	vld [tilespmem:s31+$0x14FC0];
	_ =	sdelay $0x2  }
0x26: {  	v5 =	vsub.s32 v5, v0  }
0x27: {  	[tilespmem:s3+$0x17820] =	vst.msk vm1, v5  }
0x28: {  	s14 =	simm.s32 $0x10;
	s1 =	simm.s32 $0x80;
	s0 =	simm.s32 $0x0;
	[tilespmem:s3+$0x14FC0] =	vst.msk vm1, v6  }
.LBB2_2:
0x29: {  	p0 =	sne.s32 s1, $0x9FC0;
	v5 =	vld [tilespmem:s14+$0x17820];
	_ =	sdelay $0x4  }
0x2a: {  	vm1 =	vge.s32 v5, v0;
	vm2 =	vlt.s32 v5, v1;
	v5 =	vsub.s32 v5, v0  }
0x2b: {  	v6 =	vld [tilespmem:s14+$0x14FC0];
	vm1 =	vmand vm1, vm2  }
0x2c: {  	v7 =	vmpcnt.ones.xlane vm1  }
0x2d: {  	s14 =	spop (v2sf)  }
0x2e: {  	(v2sf) =	vpush v7, $0x0;
	s0 =	sadd.s32 s0, s14  }
0x2f: {  	[tilespmem:s0+$0x17820] =	vst.msk vm1, v5  }
.Ltmp0:
0x30: {  	[tilespmem:s0+$0x14FC0] =	vst.msk vm1, v6;
	(pc) =	sbr.rel @p0 .LBB2_2-.Ltmp0, $2  }
0x31: {  	_ =	sdelay $0x2  }
0x32: {  	s14 =	sshra.s32 s1, $0x2;
	s1 =	sadd.s32 $0x40, s1  }
0x33: {  	v5 =	vld [tilespmem:s14+$0x17820];
	_ =	sdelay $0x4  }
0x34: {  	vm1 =	vge.s32 v5, v0;
	vm2 =	vlt.s32 v5, v1  }
0x35: {  	vm1 =	vmand vm1, vm2  }
0x36: {  	v6 =	vmpcnt.ones.xlane vm1;
	_ =	sdelay $0x1  }
0x37: {  	(v2sf) =	vpush v6, $0x0;
	_ =	sdelay $0xd  }
0x38: {  	s1 =	spop (v2sf)  }
0x39: {  	s0 =	sadd.s32 s0, s1;
	s5 =	spop (v2sf)  }
0x3a: {  	s1 =	sadd.s32 s0, s5  }
0x3b: {  	s30 =	sand.u32 $0xF, s1  }
0x3c: {  	v6 =	vld [tilespmem:s14+$0x14FC0];
	s18 =	sshra.s32 s1, $0x1F;
	p0 =	slt.s32 s1, $0x1;
	p1 =	sne.s32 s30, $0x0  }
0x3d: {  	s14 =	sshrl.u32 s18, $0x1C;
	p0 =	por !p0, !p1  }
0x3e: {  	s30 =	simm.s32 $0x1;
	s14 =	sadd.s32 s14, s1;
	p0 =	por !p0, !p0  }
0x3f: {  	v5 =	vsub.s32 v5, v0;
	s14 =	sshrl.u32 s14, $0x4;
	s30 =	simm.s32 @!p0 $0x0  }
0x40: {  	[tilespmem:s0+$0x17820] =	vst.msk vm1, v5;
	s22 =	sadd.s32 $0x4F, s1;
	s14 =	ssub.s32 s14, s30  }
0x41: {  	[tilespmem:s0+$0x14FC0] =	vst.msk vm1, v6;
	s31 =	sshra.s32 s22, $0x1F;
	s20 =	sshll.u32 s14, $0x4  }
0x42: {  	s31 =	smul.u32 $0x66666667, s31;
	[tilespmem:s20+$0x14FD0] =	vst v3  }
0x43: {  	s30 =	smulhi.u32 $0x66666667, s22;
	[tilespmem:s20+$0x17830] =	vst v4  }
0x44: {  	[tilespmem:s20+$0x14FE0] =	vst v3  }
0x45: {  	s30 =	sadd.s32 s31, s30;
	[tilespmem:s20+$0x17840] =	vst v4  }
0x46: {  	v5 =	vld [tilespmem:s20+$0x14FC0];
	[tilespmem:s20+$0x14FF0] =	vst v3;
	s31 =	sshrl.u32 s30, $0x1F;
	s30 =	sshra.s32 s30, $0x5  }
0x47: {  	v6 =	vld [tilespmem:s20+$0x17820];
	[tilespmem:s20+$0x17850] =	vst v4;
	s30 =	sadd.s32 s31, s30  }
0x48: {  	s14 =	ssub.s32 s1, s20;
	[tilespmem:s20+$0x15000] =	vst v3;
	s31 =	smul.u32 $0xFFFFFFB0, s30  }
0x49: {  	s1 =	ssub.s32 $0xFFFFFFB1, s1;
	[tilespmem:s20+$0x17860] =	vst v4;
	v7 =	vmov s14  }
0x4a: {  	p5 =	slt.s32 s22, $0x1;
	[tilespmem:s20+$0x15010] =	vst v3;
	vm1 =	vgt.s32 v7, v2;
	p6 =	sne.s32 s31, s1  }
0x4b: {  	[tilespmem:s20+$0x17870] =	vst v4;
	v5 =	vnsel vm1, $0x2710, v5;
	p0 =	por !p5, !p6  }
0x4c: {  	s1 =	simm.s32 $0x1;
	[tilespmem:s20+$0x14FC0] =	vst v5;
	v5 =	vnsel vm1, $0x1388, v6;
	p0 =	por !p0, !p0  }
0x4d: {  	[tilespmem:s20+$0x17820] =	vst v5;
	s1 =	simm.s32 @!p0 $0x0  }
0x4e: {  	[bflag:$0x0] =	sbarrier.arrive $0xFFFF;
	s5 =	ssub.s32 s30, s1  }
0x4f: {  	[tilespmem:s17], [sflag:$0x1] =	stream.indirect.gather [hbm4b:s4+s16], $0x110, s13, s16, $0xb8;
	[tilespmem:$0x1F580] =	vst v63  }
0x50: {  	s14 =	simm.s32 $0x14FD0;
	s30 =	smul.u32 $0x5, s5  }
0x51: {  	[tilespmem:s19], [sflag:$0x2] =	stream.indirect.gather [hbm4b:s4+s16], $0x110, s14, s16, $0xb8;
	[tilespmem:$0x1F580] =	vst v63  }
0x52: {  	p0 =	sgt.s32 s30, $0x5;
	s31 =	smov.u32 s30  }
0x53: {  	s31 =	simm.s32 @!p0 $0x5  }
0x54: {  	s20 =	sadd.s32 $0x4, s31  }
0x55: {  	s18 =	simm.s32 $0x14FE0;
	s0 =	smulhi.u32 $0x66666667, s20  }
0x56: {  	[tilespmem:s21], [sflag:$0x3] =	stream.indirect.gather [hbm4b:s4+s16], $0x110, s18, s16, $0xb8;
	[tilespmem:$0x1F580] =	vst v63  }
0x57: {  	s0 =	sshrl.u32 s0, $0x1  }
0x58: {  	s22 =	simm.s32 $0x14FF0;
	s0 =	smul.u32 $0x5, s0  }
0x59: {  	[tilespmem:s23], [sflag:$0x4] =	stream.indirect.gather [hbm4b:s4+s16], $0x110, s22, s16, $0xb8;
	[tilespmem:$0x1F580] =	vst v63  }
0x5a: {  	s1 =	simm.s32 $0x0;
	[dreg:$0x5] =	wrdreg s0;
	s0 =	simm.s32 $0x0  }
.LBB2_4:
0x5b: {  	_ =	swait.ge [sflag:s15], $0x1100;
	s14 =	sadd.s32 $0x4, s1  }
0x5c: {  	[sflag:s15] =	ssyncset.done $0x0;
	p0 =	sge.u32 s14, s31  }
0x5d: {  	[sflag:s15] =	ssyncadd.s32 $0xFFFFEF00;
	s14 =	sshra.s32 @!p0 s0, $0x2  }
0x5e: {  	s18 =	simm.s32 @!p0 $0x10;
	s20 =	simm.s32 @!p0 $0x1E480;
	s14 =	sadd.s32 @!p0 $0x15000, s14  }
0x5f: {  	[tilespmem:s20], [sflag:$0x5] =	stream.indirect.gather @!p0 [hbm4b:s4+s18], $0x110, s14, s18, $0xb8;
	[tilespmem:$0x1F580] =	vst v63  }
0x60: {  	s18 =	sshra.s32 s0, $0x2  }
0x61: {  	v5 =	vld [tilespmem:s18+$0x17820];
	_ =	sdelay $0x7  }
0x62: {  	[spmem:s2] =	stream.indirect_vreg.scatter.add.f32 [tilespmem:s17], [sflag:$0x6], $0x110, v5, vm0, $0xb8;
	[tilespmem:$0x1F580] =	vst v63  }
0x63: {  	_ =	swait.ge [sflag:s12], $0x1100  }
0x64: {  	[sflag:s12] =	ssyncset.done $0x0  }
0x65: {  	s14 =	sadd.s32 $0x5, s1;
	[sflag:s12] =	ssyncadd.s32 $0xFFFFEF00  }
0x66: {  	p0 =	sle.s32 s30, s14;
	_ =	swait.ge [sflag:s24], $0x1100  }
0x67: {  	s20 =	sshra.s32 @!p0 s0, $0x2;
	s22 =	simm.s32 @!p0 $0x10;
	[sflag:s24] =	ssyncset.done $0x0  }
0x68: {  	s5 =	simm.s32 @!p0 $0x1A080;
	s20 =	sadd.s32 @!p0 $0x15010, s20;
	[sflag:s24] =	ssyncadd.s32 $0xFFFFEF00  }
0x69: {  	[tilespmem:s5], [sflag:$0x1] =	stream.indirect.gather @!p0 [hbm4b:s4+s22], $0x110, s20, s22, $0xb8;
	[tilespmem:$0x1F580] =	vst v63  }
0x6a: {  	v5 =	vld [tilespmem:s18+$0x17830];
	_ =	sdelay $0x7  }
0x6b: {  	[spmem:s2] =	stream.indirect_vreg.scatter.add.f32 [tilespmem:s19], [sflag:$0x6], $0x110, v5, vm0, $0xb8;
	[tilespmem:$0x1F580] =	vst v63  }
0x6c: {  	_ =	swait.ge [sflag:s12], $0x1100  }
0x6d: {  	[sflag:s12] =	ssyncset.done $0x0  }
0x6e: {  	s20 =	sadd.s32 $0x6, s1;
	[sflag:s12] =	ssyncadd.s32 $0xFFFFEF00  }
0x6f: {  	p0 =	sge.u32 s20, s31;
	_ =	swait.ge [sflag:s25], $0x1100  }
0x70: {  	s5 =	sshra.s32 @!p0 s0, $0x2;
	s20 =	simm.s32 @!p0 $0x10;
	[sflag:s25] =	ssyncset.done $0x0  }
0x71: {  	s22 =	simm.s32 @!p0 $0x1B180;
	s5 =	sadd.s32 @!p0 $0x15020, s5;
	[sflag:s25] =	ssyncadd.s32 $0xFFFFEF00  }
0x72: {  	[tilespmem:s22], [sflag:$0x2] =	stream.indirect.gather @!p0 [hbm4b:s4+s20], $0x110, s5, s20, $0xb8;
	[tilespmem:$0x1F580] =	vst v63  }
0x73: {  	v5 =	vld [tilespmem:s18+$0x17840];
	_ =	sdelay $0x7  }
0x74: {  	[spmem:s2] =	stream.indirect_vreg.scatter.add.f32 [tilespmem:s21], [sflag:$0x6], $0x110, v5, vm0, $0xb8;
	[tilespmem:$0x1F580] =	vst v63  }
0x75: {  	_ =	swait.ge [sflag:s12], $0x1100  }
0x76: {  	[sflag:s12] =	ssyncset.done $0x0  }
0x77: {  	s22 =	sadd.s32 $0x7, s1;
	[sflag:s12] =	ssyncadd.s32 $0xFFFFEF00  }
0x78: {  	p0 =	sge.u32 s22, s31;
	_ =	swait.ge [sflag:s26], $0x1100  }
0x79: {  	s5 =	sshra.s32 @!p0 s0, $0x2;
	s20 =	simm.s32 @!p0 $0x10;
	[sflag:s26] =	ssyncset.done $0x0  }
0x7a: {  	s22 =	simm.s32 @!p0 $0x1C280;
	s5 =	sadd.s32 @!p0 $0x15030, s5;
	[sflag:s26] =	ssyncadd.s32 $0xFFFFEF00  }
0x7b: {  	[tilespmem:s22], [sflag:$0x3] =	stream.indirect.gather @!p0 [hbm4b:s4+s20], $0x110, s5, s20, $0xb8;
	[tilespmem:$0x1F580] =	vst v63  }
0x7c: {  	v5 =	vld [tilespmem:s18+$0x17850];
	_ =	sdelay $0x7  }
0x7d: {  	[spmem:s2] =	stream.indirect_vreg.scatter.add.f32 [tilespmem:s23], [sflag:$0x6], $0x110, v5, vm0, $0xb8;
	[tilespmem:$0x1F580] =	vst v63  }
0x7e: {  	_ =	swait.ge [sflag:s12], $0x1100  }
0x7f: {  	[sflag:s12] =	ssyncset.done $0x0  }
0x80: {  	s5 =	sadd.s32 $0x8, s1;
	[sflag:s12] =	ssyncadd.s32 $0xFFFFEF00  }
0x81: {  	p0 =	sge.u32 s5, s31;
	_ =	swait.ge [sflag:s28], $0x1100  }
0x82: {  	s1 =	sshra.s32 @!p0 s0, $0x2;
	s5 =	simm.s32 @!p0 $0x10;
	[sflag:s28] =	ssyncset.done $0x0  }
0x83: {  	s20 =	simm.s32 @!p0 $0x1D380;
	s1 =	sadd.s32 @!p0 $0x15040, s1;
	[sflag:s28] =	ssyncadd.s32 $0xFFFFEF00  }
0x84: {  	[tilespmem:s20], [sflag:$0x4] =	stream.indirect.gather @!p0 [hbm4b:s4+s5], $0x110, s1, s5, $0xb8;
	[tilespmem:$0x1F580] =	vst v63  }
0x85: {  	v5 =	vld [tilespmem:s18+$0x17860];
	_ =	sdelay $0x6  }
0x86: {  	s20 =	rddreg [dreg:$0x4]  }
0x87: {  	[spmem:s2] =	stream.indirect_vreg.scatter.add.f32 [tilespmem:s20], [sflag:$0x6], $0x110, v5, vm0, $0xb8;
	[tilespmem:$0x1F580] =	vst v63  }
0x88: {  	_ =	swait.ge [sflag:s12], $0x1100  }
0x89: {  	s22 =	rddreg [dreg:$0x5]  }
0x8a: {  	p0 =	sne.s32 s22, s14  }
.Ltmp1:
0x8b: {  	_ = 	snop;
	(pc) =	sbr.rel @p0 .LBB2_4-.Ltmp1, $3  }
0x8c: {  	_ =	sdelay $0x1  }
0x8d: {  	[sflag:s12] =	ssyncset.done $0x0  }
0x8e: {  	s0 =	sadd.s32 $0x140, s0;
	s1 =	smov.u32 s14;
	[sflag:s12] =	ssyncadd.s32 $0xFFFFEF00  }
0x8f: {  	s29 =	sadd.s32 $0x1, s29  }
0x90: {  	p0 =	sne.s32 s29, s10  }
.Ltmp2:
0x91: {  	[bflag:$0x0] =	sbarrier.arrive $0xFFFF;
	(pc) =	sbr.rel @p0 .LBB2_1-.Ltmp2, $4  }
0x92: {  	[hbm:s9], [sflag:s6] =	dma.local [spmem:s11], $0x29F8  }
0x93: {  	_ =	swait.ge [sflag:s12], $0x29F8  }
0x94: {  	[sflag:s12] =	ssyncset.done $0x0  }
0x95: {  	[sflag:s12] =	ssyncadd.s32 $0xFFFFD608  }
0x96: {  	_ =	sfence.sel $0x180000  }
0x97: {  	[bflag:$0x0] =	sbarrier.arrive $0xFFFF  }
0x98: {  	_ =	strace $0x90000047  }
0x99: {  	s0 =	stileid.u32;
	[bflag:$0x2] =	sbarrier.arrive $0xFFFF  }
0x9a: {  	p0 =	sne.s32 s0, $0x0;
	s0 =	rddreg [dreg:$0x3]  }
0x9b: {  	s0 =	sadd.s32 @!p0 $0x100000, s0  }
0x9c: {  	[sflag:s0] =	ssyncadd.tile.s32 @!p0 $0x1;
	_ =	shalt  }
.Lfunc_end2:
_tile_overlayer_lowered:
.L_overlay_start_2:
0x9d: {  	(tag) =	ssettag $0x2  }
0x9e: {  	s0 =	rddreg [dreg:$0x0];
	s2 =	stileid.u32  }
0x9f: {  	s1 =	rddreg [dreg:$0x1];
	p0 =	sne.s32 s2, $0x0  }
0xa0: {  	s3 =	rddreg [dreg:$0x2];
	[bflag:$0x3] =	sbarrier.arrive $0xFFFF;
	s2 =	simm.s32 @!p0 $0x1C06  }
0xa1: {  	[timem:s3], [sflag:s2] =	dma.local @!p0 [hbm:s0], s1  }
0xa2: {  	s0 =	simm.s32 @!p0 $0x6  }
0xa3: {  	_ =	swait.ge @!p0 [sflag:s0], s1  }
0xa4: {  	s1 =	ssub.s32 @!p0 $0x0, s1;
	[sflag:s0] =	ssyncset.done @!p0 $0x0  }
0xa5: {  	[sflag:s0] =	ssyncadd.s32 @!p0 s1  }
0xa6: {  	[bflag:$0x3] =	sbarrier.arrive $0xFFFF  }
0xa7: {  	_ =	shalt  }

</sc_bundles>
